<compile_context>
chip_gen: v7x
topology: tpu7x:2x2x1
jax: 0.10.2.dev20260603
libtpu: 0.0.44.dev20260713+nightly
codegen_flags: <defaults>
</compile_context>

<pallas_src>
import functools

import jax
import jax.numpy as jnp
from jax import lax
from jax.experimental import pallas as pl
from jax.experimental.pallas import tpu as pltpu
from jax.experimental.pallas import tpu_sc as plsc

CHUNK = 64
NBUF = 10


def _build_lookup(num_workers: int, n_chunks: int, vocab: int, dim: int):
    mesh = plsc.VectorSubcoreMesh(core_axis_name="c", subcore_axis_name="s")
    num_cores = 2
    rows_per_worker = n_chunks * CHUNK
    n_outer = n_chunks // NBUF

    @functools.partial(
        pl.kernel,
        mesh=mesh,
        out_type=jax.ShapeDtypeStruct((num_workers * rows_per_worker, dim),
                                      jnp.float32),
        scratch_types=(
            [pltpu.VMEM((rows_per_worker,), jnp.int32)]
            + [pltpu.VMEM((CHUNK, dim), jnp.float32) for _ in range(NBUF)]
            + [pltpu.SemaphoreType.DMA for _ in range(2 * NBUF)]
        ),
    )
    def lookup(idx_hbm, table_hbm, out_hbm, idx_v, *rest):
        bufs = rest[:NBUF]
        gsems = rest[NBUF:2 * NBUF]
        wsems = rest[2 * NBUF:]
        wid = lax.axis_index("s") * num_cores + lax.axis_index("c")
        base = wid * rows_per_worker
        pltpu.sync_copy(idx_hbm.at[pl.ds(base, rows_per_worker)], idx_v)

        def gather(j, b):
            return pltpu.make_async_copy(
                table_hbm.at[idx_v.at[pl.ds(j * CHUNK, CHUNK)]],
                bufs[b], gsems[b])

        def writeback(j, b):
            return pltpu.make_async_copy(
                bufs[b], out_hbm.at[pl.ds(base + j * CHUNK, CHUNK)], wsems[b])

        for b in range(NBUF):
            gather(b, b).start()

        def body(i, carry):
            j0 = i * NBUF
            for b in range(NBUF):
                j = j0 + b
                gather(j, b).wait()
                writeback(j, b).start()
                writeback(j, b).wait()
                gather(j + NBUF, b).start()
            return carry

        lax.fori_loop(0, n_outer - 1, body, 0)

        j0 = (n_outer - 1) * NBUF
        for b in range(NBUF):
            j = j0 + b
            gather(j, b).wait()
            writeback(j, b).start()
        for b in range(NBUF):
            writeback(j0 + b, b).wait()

    return lookup


def kernel(inputs, initial_state, embedding_table):
    batch, window = inputs.shape
    vocab, dim = embedding_table.shape
    total = batch * window
    num_workers = 32
    assert total % (num_workers * CHUNK) == 0
    n_chunks = total // (num_workers * CHUNK)
    assert n_chunks % NBUF == 0
    idx = inputs.T.reshape(-1)
    out = _build_lookup(num_workers, n_chunks, vocab, dim)(idx, embedding_table)
    return out.reshape(window, batch, dim).transpose(1, 0, 2)

# --- scband reference (transcript-rebuilt; emitter-appended) ---
"""Pipeline reference for scband-model-5669356830863 (READ-ONLY COPY).

The authoritative reference and input builder live on the scoring server;
editing this copy changes nothing except your own understanding.
"""

import jax, jax.numpy as jnp
import numpy as np

BATCH = 4096
WINDOW_SIZE = 50
VOCAB_SIZE = 100000
EMBED_DIM = 128

def setup_inputs(seed: int = 0) -> dict:
    key = jax.random.key(seed)
    k1, k2 = jax.random.split(key)
    inputs = jax.random.randint(k1, (BATCH, WINDOW_SIZE), 0, VOCAB_SIZE, dtype=jnp.int64 if jax.config.jax_enable_x64 else jnp.int32).astype(jnp.int32)
    initial_state = jnp.zeros((BATCH, EMBED_DIM), dtype=jnp.float32)
    embedding_table = jax.random.normal(k2, (VOCAB_SIZE, EMBED_DIM), dtype=jnp.float32)
    return {"inputs": inputs, "initial_state": initial_state, "embedding_table": embedding_table}

def reference(inputs, initial_state, embedding_table):
    # Faithful translation of tf.keras.layers.Embedding lookup:
    # embeddings = self.embedding(inputs)
    embeddings = jnp.take(embedding_table, inputs, axis=0)
    return embeddings

if __name__ == "__main__":
    import jax
    _d = setup_inputs()
    print(jax.jit(kernel)(*tuple(_d.values())))

</pallas_src>

<mosaic_0001>
#map = affine_map<(d0, d1) -> (0)>
#map1 = affine_map<(d0, d1) -> (0, 0)>
module attributes {stable_mosaic.version = 14 : i64} {
  func.func @lookup(%arg0: i32, %arg1: i32, %arg2: memref<204800xi32, #tpu.memory_space<hbm>>, %arg3: memref<100000x128xf32, #tpu.memory_space<hbm>>, %arg4: memref<204800x128xf32, #tpu.memory_space<hbm>>, %arg5: memref<6400xi32, #tpu.memory_space<vmem>>, %arg6: memref<64x128xf32, #tpu.memory_space<vmem>>, %arg7: memref<64x128xf32, #tpu.memory_space<vmem>>, %arg8: memref<64x128xf32, #tpu.memory_space<vmem>>, %arg9: memref<64x128xf32, #tpu.memory_space<vmem>>, %arg10: memref<64x128xf32, #tpu.memory_space<vmem>>, %arg11: memref<64x128xf32, #tpu.memory_space<vmem>>, %arg12: memref<64x128xf32, #tpu.memory_space<vmem>>, %arg13: memref<64x128xf32, #tpu.memory_space<vmem>>, %arg14: memref<64x128xf32, #tpu.memory_space<vmem>>, %arg15: memref<64x128xf32, #tpu.memory_space<vmem>>, %arg16: memref<!tpu.dma_semaphore, #tpu.memory_space<semaphore_mem>>, %arg17: memref<!tpu.dma_semaphore, #tpu.memory_space<semaphore_mem>>, %arg18: memref<!tpu.dma_semaphore, #tpu.memory_space<semaphore_mem>>, %arg19: memref<!tpu.dma_semaphore, #tpu.memory_space<semaphore_mem>>, %arg20: memref<!tpu.dma_semaphore, #tpu.memory_space<semaphore_mem>>, %arg21: memref<!tpu.dma_semaphore, #tpu.memory_space<semaphore_mem>>, %arg22: memref<!tpu.dma_semaphore, #tpu.memory_space<semaphore_mem>>, %arg23: memref<!tpu.dma_semaphore, #tpu.memory_space<semaphore_mem>>, %arg24: memref<!tpu.dma_semaphore, #tpu.memory_space<semaphore_mem>>, %arg25: memref<!tpu.dma_semaphore, #tpu.memory_space<semaphore_mem>>, %arg26: memref<!tpu.dma_semaphore, #tpu.memory_space<semaphore_mem>>, %arg27: memref<!tpu.dma_semaphore, #tpu.memory_space<semaphore_mem>>, %arg28: memref<!tpu.dma_semaphore, #tpu.memory_space<semaphore_mem>>, %arg29: memref<!tpu.dma_semaphore, #tpu.memory_space<semaphore_mem>>, %arg30: memref<!tpu.dma_semaphore, #tpu.memory_space<semaphore_mem>>, %arg31: memref<!tpu.dma_semaphore, #tpu.memory_space<semaphore_mem>>, %arg32: memref<!tpu.dma_semaphore, #tpu.memory_space<semaphore_mem>>, %arg33: memref<!tpu.dma_semaphore, #tpu.memory_space<semaphore_mem>>, %arg34: memref<!tpu.dma_semaphore, #tpu.memory_space<semaphore_mem>>, %arg35: memref<!tpu.dma_semaphore, #tpu.memory_space<semaphore_mem>>) attributes {dimension_semantics = [#tpu.dimension_semantics<core_parallel>, #tpu.dimension_semantics<subcore_parallel>], iteration_bounds = array<i64: 2, 16>, scalar_prefetch = 0 : i64, scratch_operands = 31 : i64, tpu.core_type = #tpu.core_type<sc_vector_subcore>, window_params = [{transform_indices = #map}, {transform_indices = #map1}, {transform_indices = #map1}]} {
    %mul3A = arith.constant 2 : i32
    %mul3A_0 = arith.muli %arg1, %mul3A : i32
    %add3A = arith.addi %mul3A_0, %arg0 : i32
    %mul3A_1 = arith.constant 6400 : i32
    %mul3A_2 = arith.muli %add3A, %mul3A_1 : i32
    "tpu.region"() ({
      %run_scoped3A = tpu.sem_alloc : memref<!tpu.dma_semaphore, #tpu.memory_space<semaphore_mem>>
      %dma_start3A_226 = tpu.memref_slice %arg2[%mul3A_2] : memref<204800xi32, #tpu.memory_space<hbm>> -> memref<6400xi32, #tpu.memory_space<hbm>>
      %dma_start3A_227 = tpu.memref_slice %arg2[%mul3A_2] : memref<204800xi32, #tpu.memory_space<hbm>> -> memref<6400xi32, #tpu.memory_space<hbm>>
      tpu.enqueue_dma source(%dma_start3A_227 : memref<6400xi32, #tpu.memory_space<hbm>>) target(%arg5 : memref<6400xi32, #tpu.memory_space<vmem>>) target_semaphore(%run_scoped3A : memref<!tpu.dma_semaphore, #tpu.memory_space<semaphore_mem>>)
      %dma_wait3A_228 = tpu.memref_slice %arg2[%mul3A_2] : memref<204800xi32, #tpu.memory_space<hbm>> -> memref<6400xi32, #tpu.memory_space<hbm>>
      %dma_wait3A_229 = tpu.memref_slice %arg2[%mul3A_2] : memref<204800xi32, #tpu.memory_space<hbm>> -> memref<6400xi32, #tpu.memory_space<hbm>>
      tpu.wait_dma2 semaphore(%run_scoped3A : memref<!tpu.dma_semaphore, #tpu.memory_space<semaphore_mem>>) src(%dma_wait3A_229 : memref<6400xi32, #tpu.memory_space<hbm>>) dst(%arg5 : memref<6400xi32, #tpu.memory_space<vmem>>)
      tpu.yield
    }) : () -> ()
    %dma_start3A = arith.constant 0 : i32
    %dma_start3A_3 = tpu.memref_slice %arg5[%dma_start3A] : memref<6400xi32, #tpu.memory_space<vmem>> -> memref<64xi32, #tpu.memory_space<vmem>>
    %dma_start3A_4 = arith.constant 0 : i32
    %dma_start3A_5 = arith.constant 0 : i32
    %dma_start3A_6 = tpu.memref_slice %arg3[%dma_start3A_4, %dma_start3A_5] : memref<100000x128xf32, #tpu.memory_space<hbm>> -> memref<100000x128xf32, #tpu.memory_space<hbm>>
    tpu.enqueue_indirect_dma source(%dma_start3A_6 : memref<100000x128xf32, #tpu.memory_space<hbm>>) target(%arg6 : memref<64x128xf32, #tpu.memory_space<vmem>>) offsets(%dma_start3A_3 : memref<64xi32, #tpu.memory_space<vmem>>) semaphore(%arg16 : memref<!tpu.dma_semaphore, #tpu.memory_space<semaphore_mem>>)
    %dma_start3A_7 = arith.constant 64 : i32
    %dma_start3A_8 = tpu.memref_slice %arg5[%dma_start3A_7] : memref<6400xi32, #tpu.memory_space<vmem>> -> memref<64xi32, #tpu.memory_space<vmem>>
    %dma_start3A_9 = arith.constant 0 : i32
    %dma_start3A_10 = arith.constant 0 : i32
    %dma_start3A_11 = tpu.memref_slice %arg3[%dma_start3A_9, %dma_start3A_10] : memref<100000x128xf32, #tpu.memory_space<hbm>> -> memref<100000x128xf32, #tpu.memory_space<hbm>>
    tpu.enqueue_indirect_dma source(%dma_start3A_11 : memref<100000x128xf32, #tpu.memory_space<hbm>>) target(%arg7 : memref<64x128xf32, #tpu.memory_space<vmem>>) offsets(%dma_start3A_8 : memref<64xi32, #tpu.memory_space<vmem>>) semaphore(%arg17 : memref<!tpu.dma_semaphore, #tpu.memory_space<semaphore_mem>>)
    %dma_start3A_12 = arith.constant 128 : i32
    %dma_start3A_13 = tpu.memref_slice %arg5[%dma_start3A_12] : memref<6400xi32, #tpu.memory_space<vmem>> -> memref<64xi32, #tpu.memory_space<vmem>>
    %dma_start3A_14 = arith.constant 0 : i32
    %dma_start3A_15 = arith.constant 0 : i32
    %dma_start3A_16 = tpu.memref_slice %arg3[%dma_start3A_14, %dma_start3A_15] : memref<100000x128xf32, #tpu.memory_space<hbm>> -> memref<100000x128xf32, #tpu.memory_space<hbm>>
    tpu.enqueue_indirect_dma source(%dma_start3A_16 : memref<100000x128xf32, #tpu.memory_space<hbm>>) target(%arg8 : memref<64x128xf32, #tpu.memory_space<vmem>>) offsets(%dma_start3A_13 : memref<64xi32, #tpu.memory_space<vmem>>) semaphore(%arg18 : memref<!tpu.dma_semaphore, #tpu.memory_space<semaphore_mem>>)
    %dma_start3A_17 = arith.constant 192 : i32
    %dma_start3A_18 = tpu.memref_slice %arg5[%dma_start3A_17] : memref<6400xi32, #tpu.memory_space<vmem>> -> memref<64xi32, #tpu.memory_space<vmem>>
    %dma_start3A_19 = arith.constant 0 : i32
    %dma_start3A_20 = arith.constant 0 : i32
    %dma_start3A_21 = tpu.memref_slice %arg3[%dma_start3A_19, %dma_start3A_20] : memref<100000x128xf32, #tpu.memory_space<hbm>> -> memref<100000x128xf32, #tpu.memory_space<hbm>>
    tpu.enqueue_indirect_dma source(%dma_start3A_21 : memref<100000x128xf32, #tpu.memory_space<hbm>>) target(%arg9 : memref<64x128xf32, #tpu.memory_space<vmem>>) offsets(%dma_start3A_18 : memref<64xi32, #tpu.memory_space<vmem>>) semaphore(%arg19 : memref<!tpu.dma_semaphore, #tpu.memory_space<semaphore_mem>>)
    %dma_start3A_22 = arith.constant 256 : i32
    %dma_start3A_23 = tpu.memref_slice %arg5[%dma_start3A_22] : memref<6400xi32, #tpu.memory_space<vmem>> -> memref<64xi32, #tpu.memory_space<vmem>>
    %dma_start3A_24 = arith.constant 0 : i32
    %dma_start3A_25 = arith.constant 0 : i32
    %dma_start3A_26 = tpu.memref_slice %arg3[%dma_start3A_24, %dma_start3A_25] : memref<100000x128xf32, #tpu.memory_space<hbm>> -> memref<100000x128xf32, #tpu.memory_space<hbm>>
    tpu.enqueue_indirect_dma source(%dma_start3A_26 : memref<100000x128xf32, #tpu.memory_space<hbm>>) target(%arg10 : memref<64x128xf32, #tpu.memory_space<vmem>>) offsets(%dma_start3A_23 : memref<64xi32, #tpu.memory_space<vmem>>) semaphore(%arg20 : memref<!tpu.dma_semaphore, #tpu.memory_space<semaphore_mem>>)
    %dma_start3A_27 = arith.constant 320 : i32
    %dma_start3A_28 = tpu.memref_slice %arg5[%dma_start3A_27] : memref<6400xi32, #tpu.memory_space<vmem>> -> memref<64xi32, #tpu.memory_space<vmem>>
    %dma_start3A_29 = arith.constant 0 : i32
    %dma_start3A_30 = arith.constant 0 : i32
    %dma_start3A_31 = tpu.memref_slice %arg3[%dma_start3A_29, %dma_start3A_30] : memref<100000x128xf32, #tpu.memory_space<hbm>> -> memref<100000x128xf32, #tpu.memory_space<hbm>>
    tpu.enqueue_indirect_dma source(%dma_start3A_31 : memref<100000x128xf32, #tpu.memory_space<hbm>>) target(%arg11 : memref<64x128xf32, #tpu.memory_space<vmem>>) offsets(%dma_start3A_28 : memref<64xi32, #tpu.memory_space<vmem>>) semaphore(%arg21 : memref<!tpu.dma_semaphore, #tpu.memory_space<semaphore_mem>>)
    %dma_start3A_32 = arith.constant 384 : i32
    %dma_start3A_33 = tpu.memref_slice %arg5[%dma_start3A_32] : memref<6400xi32, #tpu.memory_space<vmem>> -> memref<64xi32, #tpu.memory_space<vmem>>
    %dma_start3A_34 = arith.constant 0 : i32
    %dma_start3A_35 = arith.constant 0 : i32
    %dma_start3A_36 = tpu.memref_slice %arg3[%dma_start3A_34, %dma_start3A_35] : memref<100000x128xf32, #tpu.memory_space<hbm>> -> memref<100000x128xf32, #tpu.memory_space<hbm>>
    tpu.enqueue_indirect_dma source(%dma_start3A_36 : memref<100000x128xf32, #tpu.memory_space<hbm>>) target(%arg12 : memref<64x128xf32, #tpu.memory_space<vmem>>) offsets(%dma_start3A_33 : memref<64xi32, #tpu.memory_space<vmem>>) semaphore(%arg22 : memref<!tpu.dma_semaphore, #tpu.memory_space<semaphore_mem>>)
    %dma_start3A_37 = arith.constant 448 : i32
    %dma_start3A_38 = tpu.memref_slice %arg5[%dma_start3A_37] : memref<6400xi32, #tpu.memory_space<vmem>> -> memref<64xi32, #tpu.memory_space<vmem>>
    %dma_start3A_39 = arith.constant 0 : i32
    %dma_start3A_40 = arith.constant 0 : i32
    %dma_start3A_41 = tpu.memref_slice %arg3[%dma_start3A_39, %dma_start3A_40] : memref<100000x128xf32, #tpu.memory_space<hbm>> -> memref<100000x128xf32, #tpu.memory_space<hbm>>
    tpu.enqueue_indirect_dma source(%dma_start3A_41 : memref<100000x128xf32, #tpu.memory_space<hbm>>) target(%arg13 : memref<64x128xf32, #tpu.memory_space<vmem>>) offsets(%dma_start3A_38 : memref<64xi32, #tpu.memory_space<vmem>>) semaphore(%arg23 : memref<!tpu.dma_semaphore, #tpu.memory_space<semaphore_mem>>)
    %dma_start3A_42 = arith.constant 512 : i32
    %dma_start3A_43 = tpu.memref_slice %arg5[%dma_start3A_42] : memref<6400xi32, #tpu.memory_space<vmem>> -> memref<64xi32, #tpu.memory_space<vmem>>
    %dma_start3A_44 = arith.constant 0 : i32
    %dma_start3A_45 = arith.constant 0 : i32
    %dma_start3A_46 = tpu.memref_slice %arg3[%dma_start3A_44, %dma_start3A_45] : memref<100000x128xf32, #tpu.memory_space<hbm>> -> memref<100000x128xf32, #tpu.memory_space<hbm>>
    tpu.enqueue_indirect_dma source(%dma_start3A_46 : memref<100000x128xf32, #tpu.memory_space<hbm>>) target(%arg14 : memref<64x128xf32, #tpu.memory_space<vmem>>) offsets(%dma_start3A_43 : memref<64xi32, #tpu.memory_space<vmem>>) semaphore(%arg24 : memref<!tpu.dma_semaphore, #tpu.memory_space<semaphore_mem>>)
    %dma_start3A_47 = arith.constant 576 : i32
    %dma_start3A_48 = tpu.memref_slice %arg5[%dma_start3A_47] : memref<6400xi32, #tpu.memory_space<vmem>> -> memref<64xi32, #tpu.memory_space<vmem>>
    %dma_start3A_49 = arith.constant 0 : i32
    %dma_start3A_50 = arith.constant 0 : i32
    %dma_start3A_51 = tpu.memref_slice %arg3[%dma_start3A_49, %dma_start3A_50] : memref<100000x128xf32, #tpu.memory_space<hbm>> -> memref<100000x128xf32, #tpu.memory_space<hbm>>
    tpu.enqueue_indirect_dma source(%dma_start3A_51 : memref<100000x128xf32, #tpu.memory_space<hbm>>) target(%arg15 : memref<64x128xf32, #tpu.memory_space<vmem>>) offsets(%dma_start3A_48 : memref<64xi32, #tpu.memory_space<vmem>>) semaphore(%arg25 : memref<!tpu.dma_semaphore, #tpu.memory_space<semaphore_mem>>)
    %scan3A = arith.constant 0 : i32
    %scan3A_52 = arith.constant 0 : i32
    %scan3A_53 = arith.constant 9 : i32
    %scan3A_54 = arith.addi %scan3A_52, %scan3A_53 : i32
    %scan3A_55 = arith.constant 1 : i32
    scf.for %scan3A_226 = %scan3A_52 to %scan3A_54 step %scan3A_55  : i32 {
      %mul3A_227 = arith.constant 10 : i32
      %mul3A_228 = arith.muli %scan3A_226, %mul3A_227 : i32
      %add3A_229 = arith.constant 0 : i32
      %add3A_230 = arith.addi %mul3A_228, %add3A_229 : i32
      %mul3A_231 = arith.constant 64 : i32
      %mul3A_232 = arith.muli %add3A_230, %mul3A_231 : i32
      %dma_wait3A_233 = tpu.memref_slice %arg5[%mul3A_232] : memref<6400xi32, #tpu.memory_space<vmem>> -> memref<64xi32, #tpu.memory_space<vmem>>
      %dma_wait3A_234 = arith.constant 0 : i32
      %dma_wait3A_235 = arith.constant 0 : i32
      %dma_wait3A_236 = tpu.memref_slice %arg3[%dma_wait3A_234, %dma_wait3A_235] : memref<100000x128xf32, #tpu.memory_space<hbm>> -> memref<100000x128xf32, #tpu.memory_space<hbm>>
      tpu.wait_indirect_dma semaphore(%arg16 : memref<!tpu.dma_semaphore, #tpu.memory_space<semaphore_mem>>) src(%dma_wait3A_236 : memref<100000x128xf32, #tpu.memory_space<hbm>>) dst(%arg6 : memref<64x128xf32, #tpu.memory_space<vmem>>)
      %mul3A_237 = arith.constant 64 : i32
      %mul3A_238 = arith.muli %add3A_230, %mul3A_237 : i32
      %add3A_239 = arith.addi %mul3A_2, %mul3A_238 : i32
      %dma_start3A_240 = arith.constant 0 : i32
      %dma_start3A_241 = tpu.memref_slice %arg4[%add3A_239, %dma_start3A_240] : memref<204800x128xf32, #tpu.memory_space<hbm>> -> memref<64x128xf32, #tpu.memory_space<hbm>>
      %dma_start3A_242 = arith.constant 0 : i32
      %dma_start3A_243 = tpu.memref_slice %arg4[%add3A_239, %dma_start3A_242] : memref<204800x128xf32, #tpu.memory_space<hbm>> -> memref<64x128xf32, #tpu.memory_space<hbm>>
      tpu.enqueue_dma source(%arg6 : memref<64x128xf32, #tpu.memory_space<vmem>>) target(%dma_start3A_243 : memref<64x128xf32, #tpu.memory_space<hbm>>) target_semaphore(%arg26 : memref<!tpu.dma_semaphore, #tpu.memory_space<semaphore_mem>>)
      %mul3A_244 = arith.constant 64 : i32
      %mul3A_245 = arith.muli %add3A_230, %mul3A_244 : i32
      %add3A_246 = arith.addi %mul3A_2, %mul3A_245 : i32
      %dma_wait3A_247 = arith.constant 0 : i32
      %dma_wait3A_248 = tpu.memref_slice %arg4[%add3A_246, %dma_wait3A_247] : memref<204800x128xf32, #tpu.memory_space<hbm>> -> memref<64x128xf32, #tpu.memory_space<hbm>>
      %dma_wait3A_249 = arith.constant 0 : i32
      %dma_wait3A_250 = tpu.memref_slice %arg4[%add3A_246, %dma_wait3A_249] : memref<204800x128xf32, #tpu.memory_space<hbm>> -> memref<64x128xf32, #tpu.memory_space<hbm>>
      tpu.wait_dma2 semaphore(%arg26 : memref<!tpu.dma_semaphore, #tpu.memory_space<semaphore_mem>>) src(%arg6 : memref<64x128xf32, #tpu.memory_space<vmem>>) dst(%dma_wait3A_250 : memref<64x128xf32, #tpu.memory_space<hbm>>)
      %add3A_251 = arith.constant 10 : i32
      %add3A_252 = arith.addi %add3A_230, %add3A_251 : i32
      %mul3A_253 = arith.constant 64 : i32
      %mul3A_254 = arith.muli %add3A_252, %mul3A_253 : i32
      %dma_start3A_255 = tpu.memref_slice %arg5[%mul3A_254] : memref<6400xi32, #tpu.memory_space<vmem>> -> memref<64xi32, #tpu.memory_space<vmem>>
      %dma_start3A_256 = arith.constant 0 : i32
      %dma_start3A_257 = arith.constant 0 : i32
      %dma_start3A_258 = tpu.memref_slice %arg3[%dma_start3A_256, %dma_start3A_257] : memref<100000x128xf32, #tpu.memory_space<hbm>> -> memref<100000x128xf32, #tpu.memory_space<hbm>>
      tpu.enqueue_indirect_dma source(%dma_start3A_258 : memref<100000x128xf32, #tpu.memory_space<hbm>>) target(%arg6 : memref<64x128xf32, #tpu.memory_space<vmem>>) offsets(%dma_start3A_255 : memref<64xi32, #tpu.memory_space<vmem>>) semaphore(%arg16 : memref<!tpu.dma_semaphore, #tpu.memory_space<semaphore_mem>>)
      %add3A_259 = arith.constant 1 : i32
      %add3A_260 = arith.addi %mul3A_228, %add3A_259 : i32
      %mul3A_261 = arith.constant 64 : i32
      %mul3A_262 = arith.muli %add3A_260, %mul3A_261 : i32
      %dma_wait3A_263 = tpu.memref_slice %arg5[%mul3A_262] : memref<6400xi32, #tpu.memory_space<vmem>> -> memref<64xi32, #tpu.memory_space<vmem>>
      %dma_wait3A_264 = arith.constant 0 : i32
      %dma_wait3A_265 = arith.constant 0 : i32
      %dma_wait3A_266 = tpu.memref_slice %arg3[%dma_wait3A_264, %dma_wait3A_265] : memref<100000x128xf32, #tpu.memory_space<hbm>> -> memref<100000x128xf32, #tpu.memory_space<hbm>>
      tpu.wait_indirect_dma semaphore(%arg17 : memref<!tpu.dma_semaphore, #tpu.memory_space<semaphore_mem>>) src(%dma_wait3A_266 : memref<100000x128xf32, #tpu.memory_space<hbm>>) dst(%arg7 : memref<64x128xf32, #tpu.memory_space<vmem>>)
      %mul3A_267 = arith.constant 64 : i32
      %mul3A_268 = arith.muli %add3A_260, %mul3A_267 : i32
      %add3A_269 = arith.addi %mul3A_2, %mul3A_268 : i32
      %dma_start3A_270 = arith.constant 0 : i32
      %dma_start3A_271 = tpu.memref_slice %arg4[%add3A_269, %dma_start3A_270] : memref<204800x128xf32, #tpu.memory_space<hbm>> -> memref<64x128xf32, #tpu.memory_space<hbm>>
      %dma_start3A_272 = arith.constant 0 : i32
      %dma_start3A_273 = tpu.memref_slice %arg4[%add3A_269, %dma_start3A_272] : memref<204800x128xf32, #tpu.memory_space<hbm>> -> memref<64x128xf32, #tpu.memory_space<hbm>>
      tpu.enqueue_dma source(%arg7 : memref<64x128xf32, #tpu.memory_space<vmem>>) target(%dma_start3A_273 : memref<64x128xf32, #tpu.memory_space<hbm>>) target_semaphore(%arg27 : memref<!tpu.dma_semaphore, #tpu.memory_space<semaphore_mem>>)
      %mul3A_274 = arith.constant 64 : i32
      %mul3A_275 = arith.muli %add3A_260, %mul3A_274 : i32
      %add3A_276 = arith.addi %mul3A_2, %mul3A_275 : i32
      %dma_wait3A_277 = arith.constant 0 : i32
      %dma_wait3A_278 = tpu.memref_slice %arg4[%add3A_276, %dma_wait3A_277] : memref<204800x128xf32, #tpu.memory_space<hbm>> -> memref<64x128xf32, #tpu.memory_space<hbm>>
      %dma_wait3A_279 = arith.constant 0 : i32
      %dma_wait3A_280 = tpu.memref_slice %arg4[%add3A_276, %dma_wait3A_279] : memref<204800x128xf32, #tpu.memory_space<hbm>> -> memref<64x128xf32, #tpu.memory_space<hbm>>
      tpu.wait_dma2 semaphore(%arg27 : memref<!tpu.dma_semaphore, #tpu.memory_space<semaphore_mem>>) src(%arg7 : memref<64x128xf32, #tpu.memory_space<vmem>>) dst(%dma_wait3A_280 : memref<64x128xf32, #tpu.memory_space<hbm>>)
      %add3A_281 = arith.constant 10 : i32
      %add3A_282 = arith.addi %add3A_260, %add3A_281 : i32
      %mul3A_283 = arith.constant 64 : i32
      %mul3A_284 = arith.muli %add3A_282, %mul3A_283 : i32
      %dma_start3A_285 = tpu.memref_slice %arg5[%mul3A_284] : memref<6400xi32, #tpu.memory_space<vmem>> -> memref<64xi32, #tpu.memory_space<vmem>>
      %dma_start3A_286 = arith.constant 0 : i32
      %dma_start3A_287 = arith.constant 0 : i32
      %dma_start3A_288 = tpu.memref_slice %arg3[%dma_start3A_286, %dma_start3A_287] : memref<100000x128xf32, #tpu.memory_space<hbm>> -> memref<100000x128xf32, #tpu.memory_space<hbm>>
      tpu.enqueue_indirect_dma source(%dma_start3A_288 : memref<100000x128xf32, #tpu.memory_space<hbm>>) target(%arg7 : memref<64x128xf32, #tpu.memory_space<vmem>>) offsets(%dma_start3A_285 : memref<64xi32, #tpu.memory_space<vmem>>) semaphore(%arg17 : memref<!tpu.dma_semaphore, #tpu.memory_space<semaphore_mem>>)
      %add3A_289 = arith.constant 2 : i32
      %add3A_290 = arith.addi %mul3A_228, %add3A_289 : i32
      %mul3A_291 = arith.constant 64 : i32
      %mul3A_292 = arith.muli %add3A_290, %mul3A_291 : i32
      %dma_wait3A_293 = tpu.memref_slice %arg5[%mul3A_292] : memref<6400xi32, #tpu.memory_space<vmem>> -> memref<64xi32, #tpu.memory_space<vmem>>
      %dma_wait3A_294 = arith.constant 0 : i32
      %dma_wait3A_295 = arith.constant 0 : i32
      %dma_wait3A_296 = tpu.memref_slice %arg3[%dma_wait3A_294, %dma_wait3A_295] : memref<100000x128xf32, #tpu.memory_space<hbm>> -> memref<100000x128xf32, #tpu.memory_space<hbm>>
      tpu.wait_indirect_dma semaphore(%arg18 : memref<!tpu.dma_semaphore, #tpu.memory_space<semaphore_mem>>) src(%dma_wait3A_296 : memref<100000x128xf32, #tpu.memory_space<hbm>>) dst(%arg8 : memref<64x128xf32, #tpu.memory_space<vmem>>)
      %mul3A_297 = arith.constant 64 : i32
      %mul3A_298 = arith.muli %add3A_290, %mul3A_297 : i32
      %add3A_299 = arith.addi %mul3A_2, %mul3A_298 : i32
      %dma_start3A_300 = arith.constant 0 : i32
      %dma_start3A_301 = tpu.memref_slice %arg4[%add3A_299, %dma_start3A_300] : memref<204800x128xf32, #tpu.memory_space<hbm>> -> memref<64x128xf32, #tpu.memory_space<hbm>>
      %dma_start3A_302 = arith.constant 0 : i32
      %dma_start3A_303 = tpu.memref_slice %arg4[%add3A_299, %dma_start3A_302] : memref<204800x128xf32, #tpu.memory_space<hbm>> -> memref<64x128xf32, #tpu.memory_space<hbm>>
      tpu.enqueue_dma source(%arg8 : memref<64x128xf32, #tpu.memory_space<vmem>>) target(%dma_start3A_303 : memref<64x128xf32, #tpu.memory_space<hbm>>) target_semaphore(%arg28 : memref<!tpu.dma_semaphore, #tpu.memory_space<semaphore_mem>>)
      %mul3A_304 = arith.constant 64 : i32
      %mul3A_305 = arith.muli %add3A_290, %mul3A_304 : i32
      %add3A_306 = arith.addi %mul3A_2, %mul3A_305 : i32
      %dma_wait3A_307 = arith.constant 0 : i32
      %dma_wait3A_308 = tpu.memref_slice %arg4[%add3A_306, %dma_wait3A_307] : memref<204800x128xf32, #tpu.memory_space<hbm>> -> memref<64x128xf32, #tpu.memory_space<hbm>>
      %dma_wait3A_309 = arith.constant 0 : i32
      %dma_wait3A_310 = tpu.memref_slice %arg4[%add3A_306, %dma_wait3A_309] : memref<204800x128xf32, #tpu.memory_space<hbm>> -> memref<64x128xf32, #tpu.memory_space<hbm>>
      tpu.wait_dma2 semaphore(%arg28 : memref<!tpu.dma_semaphore, #tpu.memory_space<semaphore_mem>>) src(%arg8 : memref<64x128xf32, #tpu.memory_space<vmem>>) dst(%dma_wait3A_310 : memref<64x128xf32, #tpu.memory_space<hbm>>)
      %add3A_311 = arith.constant 10 : i32
      %add3A_312 = arith.addi %add3A_290, %add3A_311 : i32
      %mul3A_313 = arith.constant 64 : i32
      %mul3A_314 = arith.muli %add3A_312, %mul3A_313 : i32
      %dma_start3A_315 = tpu.memref_slice %arg5[%mul3A_314] : memref<6400xi32, #tpu.memory_space<vmem>> -> memref<64xi32, #tpu.memory_space<vmem>>
      %dma_start3A_316 = arith.constant 0 : i32
      %dma_start3A_317 = arith.constant 0 : i32
      %dma_start3A_318 = tpu.memref_slice %arg3[%dma_start3A_316, %dma_start3A_317] : memref<100000x128xf32, #tpu.memory_space<hbm>> -> memref<100000x128xf32, #tpu.memory_space<hbm>>
      tpu.enqueue_indirect_dma source(%dma_start3A_318 : memref<100000x128xf32, #tpu.memory_space<hbm>>) target(%arg8 : memref<64x128xf32, #tpu.memory_space<vmem>>) offsets(%dma_start3A_315 : memref<64xi32, #tpu.memory_space<vmem>>) semaphore(%arg18 : memref<!tpu.dma_semaphore, #tpu.memory_space<semaphore_mem>>)
      %add3A_319 = arith.constant 3 : i32
      %add3A_320 = arith.addi %mul3A_228, %add3A_319 : i32
      %mul3A_321 = arith.constant 64 : i32
      %mul3A_322 = arith.muli %add3A_320, %mul3A_321 : i32
      %dma_wait3A_323 = tpu.memref_slice %arg5[%mul3A_322] : memref<6400xi32, #tpu.memory_space<vmem>> -> memref<64xi32, #tpu.memory_space<vmem>>
      %dma_wait3A_324 = arith.constant 0 : i32
      %dma_wait3A_325 = arith.constant 0 : i32
      %dma_wait3A_326 = tpu.memref_slice %arg3[%dma_wait3A_324, %dma_wait3A_325] : memref<100000x128xf32, #tpu.memory_space<hbm>> -> memref<100000x128xf32, #tpu.memory_space<hbm>>
      tpu.wait_indirect_dma semaphore(%arg19 : memref<!tpu.dma_semaphore, #tpu.memory_space<semaphore_mem>>) src(%dma_wait3A_326 : memref<100000x128xf32, #tpu.memory_space<hbm>>) dst(%arg9 : memref<64x128xf32, #tpu.memory_space<vmem>>)
      %mul3A_327 = arith.constant 64 : i32
      %mul3A_328 = arith.muli %add3A_320, %mul3A_327 : i32
      %add3A_329 = arith.addi %mul3A_2, %mul3A_328 : i32
      %dma_start3A_330 = arith.constant 0 : i32
      %dma_start3A_331 = tpu.memref_slice %arg4[%add3A_329, %dma_start3A_330] : memref<204800x128xf32, #tpu.memory_space<hbm>> -> memref<64x128xf32, #tpu.memory_space<hbm>>
      %dma_start3A_332 = arith.constant 0 : i32
      %dma_start3A_333 = tpu.memref_slice %arg4[%add3A_329, %dma_start3A_332] : memref<204800x128xf32, #tpu.memory_space<hbm>> -> memref<64x128xf32, #tpu.memory_space<hbm>>
      tpu.enqueue_dma source(%arg9 : memref<64x128xf32, #tpu.memory_space<vmem>>) target(%dma_start3A_333 : memref<64x128xf32, #tpu.memory_space<hbm>>) target_semaphore(%arg29 : memref<!tpu.dma_semaphore, #tpu.memory_space<semaphore_mem>>)
      %mul3A_334 = arith.constant 64 : i32
      %mul3A_335 = arith.muli %add3A_320, %mul3A_334 : i32
      %add3A_336 = arith.addi %mul3A_2, %mul3A_335 : i32
      %dma_wait3A_337 = arith.constant 0 : i32
      %dma_wait3A_338 = tpu.memref_slice %arg4[%add3A_336, %dma_wait3A_337] : memref<204800x128xf32, #tpu.memory_space<hbm>> -> memref<64x128xf32, #tpu.memory_space<hbm>>
      %dma_wait3A_339 = arith.constant 0 : i32
      %dma_wait3A_340 = tpu.memref_slice %arg4[%add3A_336, %dma_wait3A_339] : memref<204800x128xf32, #tpu.memory_space<hbm>> -> memref<64x128xf32, #tpu.memory_space<hbm>>
      tpu.wait_dma2 semaphore(%arg29 : memref<!tpu.dma_semaphore, #tpu.memory_space<semaphore_mem>>) src(%arg9 : memref<64x128xf32, #tpu.memory_space<vmem>>) dst(%dma_wait3A_340 : memref<64x128xf32, #tpu.memory_space<hbm>>)
      %add3A_341 = arith.constant 10 : i32
      %add3A_342 = arith.addi %add3A_320, %add3A_341 : i32
      %mul3A_343 = arith.constant 64 : i32
      %mul3A_344 = arith.muli %add3A_342, %mul3A_343 : i32
      %dma_start3A_345 = tpu.memref_slice %arg5[%mul3A_344] : memref<6400xi32, #tpu.memory_space<vmem>> -> memref<64xi32, #tpu.memory_space<vmem>>
      %dma_start3A_346 = arith.constant 0 : i32
      %dma_start3A_347 = arith.constant 0 : i32
      %dma_start3A_348 = tpu.memref_slice %arg3[%dma_start3A_346, %dma_start3A_347] : memref<100000x128xf32, #tpu.memory_space<hbm>> -> memref<100000x128xf32, #tpu.memory_space<hbm>>
      tpu.enqueue_indirect_dma source(%dma_start3A_348 : memref<100000x128xf32, #tpu.memory_space<hbm>>) target(%arg9 : memref<64x128xf32, #tpu.memory_space<vmem>>) offsets(%dma_start3A_345 : memref<64xi32, #tpu.memory_space<vmem>>) semaphore(%arg19 : memref<!tpu.dma_semaphore, #tpu.memory_space<semaphore_mem>>)
      %add3A_349 = arith.constant 4 : i32
      %add3A_350 = arith.addi %mul3A_228, %add3A_349 : i32
      %mul3A_351 = arith.constant 64 : i32
      %mul3A_352 = arith.muli %add3A_350, %mul3A_351 : i32
      %dma_wait3A_353 = tpu.memref_slice %arg5[%mul3A_352] : memref<6400xi32, #tpu.memory_space<vmem>> -> memref<64xi32, #tpu.memory_space<vmem>>
      %dma_wait3A_354 = arith.constant 0 : i32
      %dma_wait3A_355 = arith.constant 0 : i32
      %dma_wait3A_356 = tpu.memref_slice %arg3[%dma_wait3A_354, %dma_wait3A_355] : memref<100000x128xf32, #tpu.memory_space<hbm>> -> memref<100000x128xf32, #tpu.memory_space<hbm>>
      tpu.wait_indirect_dma semaphore(%arg20 : memref<!tpu.dma_semaphore, #tpu.memory_space<semaphore_mem>>) src(%dma_wait3A_356 : memref<100000x128xf32, #tpu.memory_space<hbm>>) dst(%arg10 : memref<64x128xf32, #tpu.memory_space<vmem>>)
      %mul3A_357 = arith.constant 64 : i32
      %mul3A_358 = arith.muli %add3A_350, %mul3A_357 : i32
      %add3A_359 = arith.addi %mul3A_2, %mul3A_358 : i32
      %dma_start3A_360 = arith.constant 0 : i32
      %dma_start3A_361 = tpu.memref_slice %arg4[%add3A_359, %dma_start3A_360] : memref<204800x128xf32, #tpu.memory_space<hbm>> -> memref<64x128xf32, #tpu.memory_space<hbm>>
      %dma_start3A_362 = arith.constant 0 : i32
      %dma_start3A_363 = tpu.memref_slice %arg4[%add3A_359, %dma_start3A_362] : memref<204800x128xf32, #tpu.memory_space<hbm>> -> memref<64x128xf32, #tpu.memory_space<hbm>>
      tpu.enqueue_dma source(%arg10 : memref<64x128xf32, #tpu.memory_space<vmem>>) target(%dma_start3A_363 : memref<64x128xf32, #tpu.memory_space<hbm>>) target_semaphore(%arg30 : memref<!tpu.dma_semaphore, #tpu.memory_space<semaphore_mem>>)
      %mul3A_364 = arith.constant 64 : i32
      %mul3A_365 = arith.muli %add3A_350, %mul3A_364 : i32
      %add3A_366 = arith.addi %mul3A_2, %mul3A_365 : i32
      %dma_wait3A_367 = arith.constant 0 : i32
      %dma_wait3A_368 = tpu.memref_slice %arg4[%add3A_366, %dma_wait3A_367] : memref<204800x128xf32, #tpu.memory_space<hbm>> -> memref<64x128xf32, #tpu.memory_space<hbm>>
      %dma_wait3A_369 = arith.constant 0 : i32
      %dma_wait3A_370 = tpu.memref_slice %arg4[%add3A_366, %dma_wait3A_369] : memref<204800x128xf32, #tpu.memory_space<hbm>> -> memref<64x128xf32, #tpu.memory_space<hbm>>
      tpu.wait_dma2 semaphore(%arg30 : memref<!tpu.dma_semaphore, #tpu.memory_space<semaphore_mem>>) src(%arg10 : memref<64x128xf32, #tpu.memory_space<vmem>>) dst(%dma_wait3A_370 : memref<64x128xf32, #tpu.memory_space<hbm>>)
      %add3A_371 = arith.constant 10 : i32
      %add3A_372 = arith.addi %add3A_350, %add3A_371 : i32
      %mul3A_373 = arith.constant 64 : i32
      %mul3A_374 = arith.muli %add3A_372, %mul3A_373 : i32
      %dma_start3A_375 = tpu.memref_slice %arg5[%mul3A_374] : memref<6400xi32, #tpu.memory_space<vmem>> -> memref<64xi32, #tpu.memory_space<vmem>>
      %dma_start3A_376 = arith.constant 0 : i32
      %dma_start3A_377 = arith.constant 0 : i32
      %dma_start3A_378 = tpu.memref_slice %arg3[%dma_start3A_376, %dma_start3A_377] : memref<100000x128xf32, #tpu.memory_space<hbm>> -> memref<100000x128xf32, #tpu.memory_space<hbm>>
      tpu.enqueue_indirect_dma source(%dma_start3A_378 : memref<100000x128xf32, #tpu.memory_space<hbm>>) target(%arg10 : memref<64x128xf32, #tpu.memory_space<vmem>>) offsets(%dma_start3A_375 : memref<64xi32, #tpu.memory_space<vmem>>) semaphore(%arg20 : memref<!tpu.dma_semaphore, #tpu.memory_space<semaphore_mem>>)
      %add3A_379 = arith.constant 5 : i32
      %add3A_380 = arith.addi %mul3A_228, %add3A_379 : i32
      %mul3A_381 = arith.constant 64 : i32
      %mul3A_382 = arith.muli %add3A_380, %mul3A_381 : i32
      %dma_wait3A_383 = tpu.memref_slice %arg5[%mul3A_382] : memref<6400xi32, #tpu.memory_space<vmem>> -> memref<64xi32, #tpu.memory_space<vmem>>
      %dma_wait3A_384 = arith.constant 0 : i32
      %dma_wait3A_385 = arith.constant 0 : i32
      %dma_wait3A_386 = tpu.memref_slice %arg3[%dma_wait3A_384, %dma_wait3A_385] : memref<100000x128xf32, #tpu.memory_space<hbm>> -> memref<100000x128xf32, #tpu.memory_space<hbm>>
      tpu.wait_indirect_dma semaphore(%arg21 : memref<!tpu.dma_semaphore, #tpu.memory_space<semaphore_mem>>) src(%dma_wait3A_386 : memref<100000x128xf32, #tpu.memory_space<hbm>>) dst(%arg11 : memref<64x128xf32, #tpu.memory_space<vmem>>)
      %mul3A_387 = arith.constant 64 : i32
      %mul3A_388 = arith.muli %add3A_380, %mul3A_387 : i32
      %add3A_389 = arith.addi %mul3A_2, %mul3A_388 : i32
      %dma_start3A_390 = arith.constant 0 : i32
      %dma_start3A_391 = tpu.memref_slice %arg4[%add3A_389, %dma_start3A_390] : memref<204800x128xf32, #tpu.memory_space<hbm>> -> memref<64x128xf32, #tpu.memory_space<hbm>>
      %dma_start3A_392 = arith.constant 0 : i32
      %dma_start3A_393 = tpu.memref_slice %arg4[%add3A_389, %dma_start3A_392] : memref<204800x128xf32, #tpu.memory_space<hbm>> -> memref<64x128xf32, #tpu.memory_space<hbm>>
      tpu.enqueue_dma source(%arg11 : memref<64x128xf32, #tpu.memory_space<vmem>>) target(%dma_start3A_393 : memref<64x128xf32, #tpu.memory_space<hbm>>) target_semaphore(%arg31 : memref<!tpu.dma_semaphore, #tpu.memory_space<semaphore_mem>>)
      %mul3A_394 = arith.constant 64 : i32
      %mul3A_395 = arith.muli %add3A_380, %mul3A_394 : i32
      %add3A_396 = arith.addi %mul3A_2, %mul3A_395 : i32
      %dma_wait3A_397 = arith.constant 0 : i32
      %dma_wait3A_398 = tpu.memref_slice %arg4[%add3A_396, %dma_wait3A_397] : memref<204800x128xf32, #tpu.memory_space<hbm>> -> memref<64x128xf32, #tpu.memory_space<hbm>>
      %dma_wait3A_399 = arith.constant 0 : i32
      %dma_wait3A_400 = tpu.memref_slice %arg4[%add3A_396, %dma_wait3A_399] : memref<204800x128xf32, #tpu.memory_space<hbm>> -> memref<64x128xf32, #tpu.memory_space<hbm>>
      tpu.wait_dma2 semaphore(%arg31 : memref<!tpu.dma_semaphore, #tpu.memory_space<semaphore_mem>>) src(%arg11 : memref<64x128xf32, #tpu.memory_space<vmem>>) dst(%dma_wait3A_400 : memref<64x128xf32, #tpu.memory_space<hbm>>)
      %add3A_401 = arith.constant 10 : i32
      %add3A_402 = arith.addi %add3A_380, %add3A_401 : i32
      %mul3A_403 = arith.constant 64 : i32
      %mul3A_404 = arith.muli %add3A_402, %mul3A_403 : i32
      %dma_start3A_405 = tpu.memref_slice %arg5[%mul3A_404] : memref<6400xi32, #tpu.memory_space<vmem>> -> memref<64xi32, #tpu.memory_space<vmem>>
      %dma_start3A_406 = arith.constant 0 : i32
      %dma_start3A_407 = arith.constant 0 : i32
      %dma_start3A_408 = tpu.memref_slice %arg3[%dma_start3A_406, %dma_start3A_407] : memref<100000x128xf32, #tpu.memory_space<hbm>> -> memref<100000x128xf32, #tpu.memory_space<hbm>>
      tpu.enqueue_indirect_dma source(%dma_start3A_408 : memref<100000x128xf32, #tpu.memory_space<hbm>>) target(%arg11 : memref<64x128xf32, #tpu.memory_space<vmem>>) offsets(%dma_start3A_405 : memref<64xi32, #tpu.memory_space<vmem>>) semaphore(%arg21 : memref<!tpu.dma_semaphore, #tpu.memory_space<semaphore_mem>>)
      %add3A_409 = arith.constant 6 : i32
      %add3A_410 = arith.addi %mul3A_228, %add3A_409 : i32
      %mul3A_411 = arith.constant 64 : i32
      %mul3A_412 = arith.muli %add3A_410, %mul3A_411 : i32
      %dma_wait3A_413 = tpu.memref_slice %arg5[%mul3A_412] : memref<6400xi32, #tpu.memory_space<vmem>> -> memref<64xi32, #tpu.memory_space<vmem>>
      %dma_wait3A_414 = arith.constant 0 : i32
      %dma_wait3A_415 = arith.constant 0 : i32
      %dma_wait3A_416 = tpu.memref_slice %arg3[%dma_wait3A_414, %dma_wait3A_415] : memref<100000x128xf32, #tpu.memory_space<hbm>> -> memref<100000x128xf32, #tpu.memory_space<hbm>>
      tpu.wait_indirect_dma semaphore(%arg22 : memref<!tpu.dma_semaphore, #tpu.memory_space<semaphore_mem>>) src(%dma_wait3A_416 : memref<100000x128xf32, #tpu.memory_space<hbm>>) dst(%arg12 : memref<64x128xf32, #tpu.memory_space<vmem>>)
      %mul3A_417 = arith.constant 64 : i32
      %mul3A_418 = arith.muli %add3A_410, %mul3A_417 : i32
      %add3A_419 = arith.addi %mul3A_2, %mul3A_418 : i32
      %dma_start3A_420 = arith.constant 0 : i32
      %dma_start3A_421 = tpu.memref_slice %arg4[%add3A_419, %dma_start3A_420] : memref<204800x128xf32, #tpu.memory_space<hbm>> -> memref<64x128xf32, #tpu.memory_space<hbm>>
      %dma_start3A_422 = arith.constant 0 : i32
      %dma_start3A_423 = tpu.memref_slice %arg4[%add3A_419, %dma_start3A_422] : memref<204800x128xf32, #tpu.memory_space<hbm>> -> memref<64x128xf32, #tpu.memory_space<hbm>>
      tpu.enqueue_dma source(%arg12 : memref<64x128xf32, #tpu.memory_space<vmem>>) target(%dma_start3A_423 : memref<64x128xf32, #tpu.memory_space<hbm>>) target_semaphore(%arg32 : memref<!tpu.dma_semaphore, #tpu.memory_space<semaphore_mem>>)
      %mul3A_424 = arith.constant 64 : i32
      %mul3A_425 = arith.muli %add3A_410, %mul3A_424 : i32
      %add3A_426 = arith.addi %mul3A_2, %mul3A_425 : i32
      %dma_wait3A_427 = arith.constant 0 : i32
      %dma_wait3A_428 = tpu.memref_slice %arg4[%add3A_426, %dma_wait3A_427] : memref<204800x128xf32, #tpu.memory_space<hbm>> -> memref<64x128xf32, #tpu.memory_space<hbm>>
      %dma_wait3A_429 = arith.constant 0 : i32
      %dma_wait3A_430 = tpu.memref_slice %arg4[%add3A_426, %dma_wait3A_429] : memref<204800x128xf32, #tpu.memory_space<hbm>> -> memref<64x128xf32, #tpu.memory_space<hbm>>
      tpu.wait_dma2 semaphore(%arg32 : memref<!tpu.dma_semaphore, #tpu.memory_space<semaphore_mem>>) src(%arg12 : memref<64x128xf32, #tpu.memory_space<vmem>>) dst(%dma_wait3A_430 : memref<64x128xf32, #tpu.memory_space<hbm>>)
      %add3A_431 = arith.constant 10 : i32
      %add3A_432 = arith.addi %add3A_410, %add3A_431 : i32
      %mul3A_433 = arith.constant 64 : i32
      %mul3A_434 = arith.muli %add3A_432, %mul3A_433 : i32
      %dma_start3A_435 = tpu.memref_slice %arg5[%mul3A_434] : memref<6400xi32, #tpu.memory_space<vmem>> -> memref<64xi32, #tpu.memory_space<vmem>>
      %dma_start3A_436 = arith.constant 0 : i32
      %dma_start3A_437 = arith.constant 0 : i32
      %dma_start3A_438 = tpu.memref_slice %arg3[%dma_start3A_436, %dma_start3A_437] : memref<100000x128xf32, #tpu.memory_space<hbm>> -> memref<100000x128xf32, #tpu.memory_space<hbm>>
      tpu.enqueue_indirect_dma source(%dma_start3A_438 : memref<100000x128xf32, #tpu.memory_space<hbm>>) target(%arg12 : memref<64x128xf32, #tpu.memory_space<vmem>>) offsets(%dma_start3A_435 : memref<64xi32, #tpu.memory_space<vmem>>) semaphore(%arg22 : memref<!tpu.dma_semaphore, #tpu.memory_space<semaphore_mem>>)
      %add3A_439 = arith.constant 7 : i32
      %add3A_440 = arith.addi %mul3A_228, %add3A_439 : i32
      %mul3A_441 = arith.constant 64 : i32
      %mul3A_442 = arith.muli %add3A_440, %mul3A_441 : i32
      %dma_wait3A_443 = tpu.memref_slice %arg5[%mul3A_442] : memref<6400xi32, #tpu.memory_space<vmem>> -> memref<64xi32, #tpu.memory_space<vmem>>
      %dma_wait3A_444 = arith.constant 0 : i32
      %dma_wait3A_445 = arith.constant 0 : i32
      %dma_wait3A_446 = tpu.memref_slice %arg3[%dma_wait3A_444, %dma_wait3A_445] : memref<100000x128xf32, #tpu.memory_space<hbm>> -> memref<100000x128xf32, #tpu.memory_space<hbm>>
      tpu.wait_indirect_dma semaphore(%arg23 : memref<!tpu.dma_semaphore, #tpu.memory_space<semaphore_mem>>) src(%dma_wait3A_446 : memref<100000x128xf32, #tpu.memory_space<hbm>>) dst(%arg13 : memref<64x128xf32, #tpu.memory_space<vmem>>)
      %mul3A_447 = arith.constant 64 : i32
      %mul3A_448 = arith.muli %add3A_440, %mul3A_447 : i32
      %add3A_449 = arith.addi %mul3A_2, %mul3A_448 : i32
      %dma_start3A_450 = arith.constant 0 : i32
      %dma_start3A_451 = tpu.memref_slice %arg4[%add3A_449, %dma_start3A_450] : memref<204800x128xf32, #tpu.memory_space<hbm>> -> memref<64x128xf32, #tpu.memory_space<hbm>>
      %dma_start3A_452 = arith.constant 0 : i32
      %dma_start3A_453 = tpu.memref_slice %arg4[%add3A_449, %dma_start3A_452] : memref<204800x128xf32, #tpu.memory_space<hbm>> -> memref<64x128xf32, #tpu.memory_space<hbm>>
      tpu.enqueue_dma source(%arg13 : memref<64x128xf32, #tpu.memory_space<vmem>>) target(%dma_start3A_453 : memref<64x128xf32, #tpu.memory_space<hbm>>) target_semaphore(%arg33 : memref<!tpu.dma_semaphore, #tpu.memory_space<semaphore_mem>>)
      %mul3A_454 = arith.constant 64 : i32
      %mul3A_455 = arith.muli %add3A_440, %mul3A_454 : i32
      %add3A_456 = arith.addi %mul3A_2, %mul3A_455 : i32
      %dma_wait3A_457 = arith.constant 0 : i32
      %dma_wait3A_458 = tpu.memref_slice %arg4[%add3A_456, %dma_wait3A_457] : memref<204800x128xf32, #tpu.memory_space<hbm>> -> memref<64x128xf32, #tpu.memory_space<hbm>>
      %dma_wait3A_459 = arith.constant 0 : i32
      %dma_wait3A_460 = tpu.memref_slice %arg4[%add3A_456, %dma_wait3A_459] : memref<204800x128xf32, #tpu.memory_space<hbm>> -> memref<64x128xf32, #tpu.memory_space<hbm>>
      tpu.wait_dma2 semaphore(%arg33 : memref<!tpu.dma_semaphore, #tpu.memory_space<semaphore_mem>>) src(%arg13 : memref<64x128xf32, #tpu.memory_space<vmem>>) dst(%dma_wait3A_460 : memref<64x128xf32, #tpu.memory_space<hbm>>)
      %add3A_461 = arith.constant 10 : i32
      %add3A_462 = arith.addi %add3A_440, %add3A_461 : i32
      %mul3A_463 = arith.constant 64 : i32
      %mul3A_464 = arith.muli %add3A_462, %mul3A_463 : i32
      %dma_start3A_465 = tpu.memref_slice %arg5[%mul3A_464] : memref<6400xi32, #tpu.memory_space<vmem>> -> memref<64xi32, #tpu.memory_space<vmem>>
      %dma_start3A_466 = arith.constant 0 : i32
      %dma_start3A_467 = arith.constant 0 : i32
      %dma_start3A_468 = tpu.memref_slice %arg3[%dma_start3A_466, %dma_start3A_467] : memref<100000x128xf32, #tpu.memory_space<hbm>> -> memref<100000x128xf32, #tpu.memory_space<hbm>>
      tpu.enqueue_indirect_dma source(%dma_start3A_468 : memref<100000x128xf32, #tpu.memory_space<hbm>>) target(%arg13 : memref<64x128xf32, #tpu.memory_space<vmem>>) offsets(%dma_start3A_465 : memref<64xi32, #tpu.memory_space<vmem>>) semaphore(%arg23 : memref<!tpu.dma_semaphore, #tpu.memory_space<semaphore_mem>>)
      %add3A_469 = arith.constant 8 : i32
      %add3A_470 = arith.addi %mul3A_228, %add3A_469 : i32
      %mul3A_471 = arith.constant 64 : i32
      %mul3A_472 = arith.muli %add3A_470, %mul3A_471 : i32
      %dma_wait3A_473 = tpu.memref_slice %arg5[%mul3A_472] : memref<6400xi32, #tpu.memory_space<vmem>> -> memref<64xi32, #tpu.memory_space<vmem>>
      %dma_wait3A_474 = arith.constant 0 : i32
      %dma_wait3A_475 = arith.constant 0 : i32
      %dma_wait3A_476 = tpu.memref_slice %arg3[%dma_wait3A_474, %dma_wait3A_475] : memref<100000x128xf32, #tpu.memory_space<hbm>> -> memref<100000x128xf32, #tpu.memory_space<hbm>>
      tpu.wait_indirect_dma semaphore(%arg24 : memref<!tpu.dma_semaphore, #tpu.memory_space<semaphore_mem>>) src(%dma_wait3A_476 : memref<100000x128xf32, #tpu.memory_space<hbm>>) dst(%arg14 : memref<64x128xf32, #tpu.memory_space<vmem>>)
      %mul3A_477 = arith.constant 64 : i32
      %mul3A_478 = arith.muli %add3A_470, %mul3A_477 : i32
      %add3A_479 = arith.addi %mul3A_2, %mul3A_478 : i32
      %dma_start3A_480 = arith.constant 0 : i32
      %dma_start3A_481 = tpu.memref_slice %arg4[%add3A_479, %dma_start3A_480] : memref<204800x128xf32, #tpu.memory_space<hbm>> -> memref<64x128xf32, #tpu.memory_space<hbm>>
      %dma_start3A_482 = arith.constant 0 : i32
      %dma_start3A_483 = tpu.memref_slice %arg4[%add3A_479, %dma_start3A_482] : memref<204800x128xf32, #tpu.memory_space<hbm>> -> memref<64x128xf32, #tpu.memory_space<hbm>>
      tpu.enqueue_dma source(%arg14 : memref<64x128xf32, #tpu.memory_space<vmem>>) target(%dma_start3A_483 : memref<64x128xf32, #tpu.memory_space<hbm>>) target_semaphore(%arg34 : memref<!tpu.dma_semaphore, #tpu.memory_space<semaphore_mem>>)
      %mul3A_484 = arith.constant 64 : i32
      %mul3A_485 = arith.muli %add3A_470, %mul3A_484 : i32
      %add3A_486 = arith.addi %mul3A_2, %mul3A_485 : i32
      %dma_wait3A_487 = arith.constant 0 : i32
      %dma_wait3A_488 = tpu.memref_slice %arg4[%add3A_486, %dma_wait3A_487] : memref<204800x128xf32, #tpu.memory_space<hbm>> -> memref<64x128xf32, #tpu.memory_space<hbm>>
      %dma_wait3A_489 = arith.constant 0 : i32
      %dma_wait3A_490 = tpu.memref_slice %arg4[%add3A_486, %dma_wait3A_489] : memref<204800x128xf32, #tpu.memory_space<hbm>> -> memref<64x128xf32, #tpu.memory_space<hbm>>
      tpu.wait_dma2 semaphore(%arg34 : memref<!tpu.dma_semaphore, #tpu.memory_space<semaphore_mem>>) src(%arg14 : memref<64x128xf32, #tpu.memory_space<vmem>>) dst(%dma_wait3A_490 : memref<64x128xf32, #tpu.memory_space<hbm>>)
      %add3A_491 = arith.constant 10 : i32
      %add3A_492 = arith.addi %add3A_470, %add3A_491 : i32
      %mul3A_493 = arith.constant 64 : i32
      %mul3A_494 = arith.muli %add3A_492, %mul3A_493 : i32
      %dma_start3A_495 = tpu.memref_slice %arg5[%mul3A_494] : memref<6400xi32, #tpu.memory_space<vmem>> -> memref<64xi32, #tpu.memory_space<vmem>>
      %dma_start3A_496 = arith.constant 0 : i32
      %dma_start3A_497 = arith.constant 0 : i32
      %dma_start3A_498 = tpu.memref_slice %arg3[%dma_start3A_496, %dma_start3A_497] : memref<100000x128xf32, #tpu.memory_space<hbm>> -> memref<100000x128xf32, #tpu.memory_space<hbm>>
      tpu.enqueue_indirect_dma source(%dma_start3A_498 : memref<100000x128xf32, #tpu.memory_space<hbm>>) target(%arg14 : memref<64x128xf32, #tpu.memory_space<vmem>>) offsets(%dma_start3A_495 : memref<64xi32, #tpu.memory_space<vmem>>) semaphore(%arg24 : memref<!tpu.dma_semaphore, #tpu.memory_space<semaphore_mem>>)
      %add3A_499 = arith.constant 9 : i32
      %add3A_500 = arith.addi %mul3A_228, %add3A_499 : i32
      %mul3A_501 = arith.constant 64 : i32
      %mul3A_502 = arith.muli %add3A_500, %mul3A_501 : i32
      %dma_wait3A_503 = tpu.memref_slice %arg5[%mul3A_502] : memref<6400xi32, #tpu.memory_space<vmem>> -> memref<64xi32, #tpu.memory_space<vmem>>
      %dma_wait3A_504 = arith.constant 0 : i32
      %dma_wait3A_505 = arith.constant 0 : i32
      %dma_wait3A_506 = tpu.memref_slice %arg3[%dma_wait3A_504, %dma_wait3A_505] : memref<100000x128xf32, #tpu.memory_space<hbm>> -> memref<100000x128xf32, #tpu.memory_space<hbm>>
      tpu.wait_indirect_dma semaphore(%arg25 : memref<!tpu.dma_semaphore, #tpu.memory_space<semaphore_mem>>) src(%dma_wait3A_506 : memref<100000x128xf32, #tpu.memory_space<hbm>>) dst(%arg15 : memref<64x128xf32, #tpu.memory_space<vmem>>)
      %mul3A_507 = arith.constant 64 : i32
      %mul3A_508 = arith.muli %add3A_500, %mul3A_507 : i32
      %add3A_509 = arith.addi %mul3A_2, %mul3A_508 : i32
      %dma_start3A_510 = arith.constant 0 : i32
      %dma_start3A_511 = tpu.memref_slice %arg4[%add3A_509, %dma_start3A_510] : memref<204800x128xf32, #tpu.memory_space<hbm>> -> memref<64x128xf32, #tpu.memory_space<hbm>>
      %dma_start3A_512 = arith.constant 0 : i32
      %dma_start3A_513 = tpu.memref_slice %arg4[%add3A_509, %dma_start3A_512] : memref<204800x128xf32, #tpu.memory_space<hbm>> -> memref<64x128xf32, #tpu.memory_space<hbm>>
      tpu.enqueue_dma source(%arg15 : memref<64x128xf32, #tpu.memory_space<vmem>>) target(%dma_start3A_513 : memref<64x128xf32, #tpu.memory_space<hbm>>) target_semaphore(%arg35 : memref<!tpu.dma_semaphore, #tpu.memory_space<semaphore_mem>>)
      %mul3A_514 = arith.constant 64 : i32
      %mul3A_515 = arith.muli %add3A_500, %mul3A_514 : i32
      %add3A_516 = arith.addi %mul3A_2, %mul3A_515 : i32
      %dma_wait3A_517 = arith.constant 0 : i32
      %dma_wait3A_518 = tpu.memref_slice %arg4[%add3A_516, %dma_wait3A_517] : memref<204800x128xf32, #tpu.memory_space<hbm>> -> memref<64x128xf32, #tpu.memory_space<hbm>>
      %dma_wait3A_519 = arith.constant 0 : i32
      %dma_wait3A_520 = tpu.memref_slice %arg4[%add3A_516, %dma_wait3A_519] : memref<204800x128xf32, #tpu.memory_space<hbm>> -> memref<64x128xf32, #tpu.memory_space<hbm>>
      tpu.wait_dma2 semaphore(%arg35 : memref<!tpu.dma_semaphore, #tpu.memory_space<semaphore_mem>>) src(%arg15 : memref<64x128xf32, #tpu.memory_space<vmem>>) dst(%dma_wait3A_520 : memref<64x128xf32, #tpu.memory_space<hbm>>)
      %add3A_521 = arith.constant 10 : i32
      %add3A_522 = arith.addi %add3A_500, %add3A_521 : i32
      %mul3A_523 = arith.constant 64 : i32
      %mul3A_524 = arith.muli %add3A_522, %mul3A_523 : i32
      %dma_start3A_525 = tpu.memref_slice %arg5[%mul3A_524] : memref<6400xi32, #tpu.memory_space<vmem>> -> memref<64xi32, #tpu.memory_space<vmem>>
      %dma_start3A_526 = arith.constant 0 : i32
      %dma_start3A_527 = arith.constant 0 : i32
      %dma_start3A_528 = tpu.memref_slice %arg3[%dma_start3A_526, %dma_start3A_527] : memref<100000x128xf32, #tpu.memory_space<hbm>> -> memref<100000x128xf32, #tpu.memory_space<hbm>>
      tpu.enqueue_indirect_dma source(%dma_start3A_528 : memref<100000x128xf32, #tpu.memory_space<hbm>>) target(%arg15 : memref<64x128xf32, #tpu.memory_space<vmem>>) offsets(%dma_start3A_525 : memref<64xi32, #tpu.memory_space<vmem>>) semaphore(%arg25 : memref<!tpu.dma_semaphore, #tpu.memory_space<semaphore_mem>>)
    }
    %scan3A_56 = arith.constant 9 : i32
    %dma_wait3A = arith.constant 5760 : i32
    %dma_wait3A_57 = tpu.memref_slice %arg5[%dma_wait3A] : memref<6400xi32, #tpu.memory_space<vmem>> -> memref<64xi32, #tpu.memory_space<vmem>>
    %dma_wait3A_58 = arith.constant 0 : i32
    %dma_wait3A_59 = arith.constant 0 : i32
    %dma_wait3A_60 = tpu.memref_slice %arg3[%dma_wait3A_58, %dma_wait3A_59] : memref<100000x128xf32, #tpu.memory_space<hbm>> -> memref<100000x128xf32, #tpu.memory_space<hbm>>
    tpu.wait_indirect_dma semaphore(%arg16 : memref<!tpu.dma_semaphore, #tpu.memory_space<semaphore_mem>>) src(%dma_wait3A_60 : memref<100000x128xf32, #tpu.memory_space<hbm>>) dst(%arg6 : memref<64x128xf32, #tpu.memory_space<vmem>>)
    %add3A_61 = arith.constant 5760 : i32
    %add3A_62 = arith.addi %mul3A_2, %add3A_61 : i32
    %dma_start3A_63 = arith.constant 0 : i32
    %dma_start3A_64 = tpu.memref_slice %arg4[%add3A_62, %dma_start3A_63] : memref<204800x128xf32, #tpu.memory_space<hbm>> -> memref<64x128xf32, #tpu.memory_space<hbm>>
    %dma_start3A_65 = arith.constant 0 : i32
    %dma_start3A_66 = tpu.memref_slice %arg4[%add3A_62, %dma_start3A_65] : memref<204800x128xf32, #tpu.memory_space<hbm>> -> memref<64x128xf32, #tpu.memory_space<hbm>>
    tpu.enqueue_dma source(%arg6 : memref<64x128xf32, #tpu.memory_space<vmem>>) target(%dma_start3A_66 : memref<64x128xf32, #tpu.memory_space<hbm>>) target_semaphore(%arg26 : memref<!tpu.dma_semaphore, #tpu.memory_space<semaphore_mem>>)
    %dma_wait3A_67 = arith.constant 5824 : i32
    %dma_wait3A_68 = tpu.memref_slice %arg5[%dma_wait3A_67] : memref<6400xi32, #tpu.memory_space<vmem>> -> memref<64xi32, #tpu.memory_space<vmem>>
    %dma_wait3A_69 = arith.constant 0 : i32
    %dma_wait3A_70 = arith.constant 0 : i32
    %dma_wait3A_71 = tpu.memref_slice %arg3[%dma_wait3A_69, %dma_wait3A_70] : memref<100000x128xf32, #tpu.memory_space<hbm>> -> memref<100000x128xf32, #tpu.memory_space<hbm>>
    tpu.wait_indirect_dma semaphore(%arg17 : memref<!tpu.dma_semaphore, #tpu.memory_space<semaphore_mem>>) src(%dma_wait3A_71 : memref<100000x128xf32, #tpu.memory_space<hbm>>) dst(%arg7 : memref<64x128xf32, #tpu.memory_space<vmem>>)
    %add3A_72 = arith.constant 5824 : i32
    %add3A_73 = arith.addi %mul3A_2, %add3A_72 : i32
    %dma_start3A_74 = arith.constant 0 : i32
    %dma_start3A_75 = tpu.memref_slice %arg4[%add3A_73, %dma_start3A_74] : memref<204800x128xf32, #tpu.memory_space<hbm>> -> memref<64x128xf32, #tpu.memory_space<hbm>>
    %dma_start3A_76 = arith.constant 0 : i32
    %dma_start3A_77 = tpu.memref_slice %arg4[%add3A_73, %dma_start3A_76] : memref<204800x128xf32, #tpu.memory_space<hbm>> -> memref<64x128xf32, #tpu.memory_space<hbm>>
    tpu.enqueue_dma source(%arg7 : memref<64x128xf32, #tpu.memory_space<vmem>>) target(%dma_start3A_77 : memref<64x128xf32, #tpu.memory_space<hbm>>) target_semaphore(%arg27 : memref<!tpu.dma_semaphore, #tpu.memory_space<semaphore_mem>>)
    %dma_wait3A_78 = arith.constant 5888 : i32
    %dma_wait3A_79 = tpu.memref_slice %arg5[%dma_wait3A_78] : memref<6400xi32, #tpu.memory_space<vmem>> -> memref<64xi32, #tpu.memory_space<vmem>>
    %dma_wait3A_80 = arith.constant 0 : i32
    %dma_wait3A_81 = arith.constant 0 : i32
    %dma_wait3A_82 = tpu.memref_slice %arg3[%dma_wait3A_80, %dma_wait3A_81] : memref<100000x128xf32, #tpu.memory_space<hbm>> -> memref<100000x128xf32, #tpu.memory_space<hbm>>
    tpu.wait_indirect_dma semaphore(%arg18 : memref<!tpu.dma_semaphore, #tpu.memory_space<semaphore_mem>>) src(%dma_wait3A_82 : memref<100000x128xf32, #tpu.memory_space<hbm>>) dst(%arg8 : memref<64x128xf32, #tpu.memory_space<vmem>>)
    %add3A_83 = arith.constant 5888 : i32
    %add3A_84 = arith.addi %mul3A_2, %add3A_83 : i32
    %dma_start3A_85 = arith.constant 0 : i32
    %dma_start3A_86 = tpu.memref_slice %arg4[%add3A_84, %dma_start3A_85] : memref<204800x128xf32, #tpu.memory_space<hbm>> -> memref<64x128xf32, #tpu.memory_space<hbm>>
    %dma_start3A_87 = arith.constant 0 : i32
    %dma_start3A_88 = tpu.memref_slice %arg4[%add3A_84, %dma_start3A_87] : memref<204800x128xf32, #tpu.memory_space<hbm>> -> memref<64x128xf32, #tpu.memory_space<hbm>>
    tpu.enqueue_dma source(%arg8 : memref<64x128xf32, #tpu.memory_space<vmem>>) target(%dma_start3A_88 : memref<64x128xf32, #tpu.memory_space<hbm>>) target_semaphore(%arg28 : memref<!tpu.dma_semaphore, #tpu.memory_space<semaphore_mem>>)
    %dma_wait3A_89 = arith.constant 5952 : i32
    %dma_wait3A_90 = tpu.memref_slice %arg5[%dma_wait3A_89] : memref<6400xi32, #tpu.memory_space<vmem>> -> memref<64xi32, #tpu.memory_space<vmem>>
    %dma_wait3A_91 = arith.constant 0 : i32
    %dma_wait3A_92 = arith.constant 0 : i32
    %dma_wait3A_93 = tpu.memref_slice %arg3[%dma_wait3A_91, %dma_wait3A_92] : memref<100000x128xf32, #tpu.memory_space<hbm>> -> memref<100000x128xf32, #tpu.memory_space<hbm>>
    tpu.wait_indirect_dma semaphore(%arg19 : memref<!tpu.dma_semaphore, #tpu.memory_space<semaphore_mem>>) src(%dma_wait3A_93 : memref<100000x128xf32, #tpu.memory_space<hbm>>) dst(%arg9 : memref<64x128xf32, #tpu.memory_space<vmem>>)
    %add3A_94 = arith.constant 5952 : i32
    %add3A_95 = arith.addi %mul3A_2, %add3A_94 : i32
    %dma_start3A_96 = arith.constant 0 : i32
    %dma_start3A_97 = tpu.memref_slice %arg4[%add3A_95, %dma_start3A_96] : memref<204800x128xf32, #tpu.memory_space<hbm>> -> memref<64x128xf32, #tpu.memory_space<hbm>>
    %dma_start3A_98 = arith.constant 0 : i32
    %dma_start3A_99 = tpu.memref_slice %arg4[%add3A_95, %dma_start3A_98] : memref<204800x128xf32, #tpu.memory_space<hbm>> -> memref<64x128xf32, #tpu.memory_space<hbm>>
    tpu.enqueue_dma source(%arg9 : memref<64x128xf32, #tpu.memory_space<vmem>>) target(%dma_start3A_99 : memref<64x128xf32, #tpu.memory_space<hbm>>) target_semaphore(%arg29 : memref<!tpu.dma_semaphore, #tpu.memory_space<semaphore_mem>>)
    %dma_wait3A_100 = arith.constant 6016 : i32
    %dma_wait3A_101 = tpu.memref_slice %arg5[%dma_wait3A_100] : memref<6400xi32, #tpu.memory_space<vmem>> -> memref<64xi32, #tpu.memory_space<vmem>>
    %dma_wait3A_102 = arith.constant 0 : i32
    %dma_wait3A_103 = arith.constant 0 : i32
    %dma_wait3A_104 = tpu.memref_slice %arg3[%dma_wait3A_102, %dma_wait3A_103] : memref<100000x128xf32, #tpu.memory_space<hbm>> -> memref<100000x128xf32, #tpu.memory_space<hbm>>
    tpu.wait_indirect_dma semaphore(%arg20 : memref<!tpu.dma_semaphore, #tpu.memory_space<semaphore_mem>>) src(%dma_wait3A_104 : memref<100000x128xf32, #tpu.memory_space<hbm>>) dst(%arg10 : memref<64x128xf32, #tpu.memory_space<vmem>>)
    %add3A_105 = arith.constant 6016 : i32
    %add3A_106 = arith.addi %mul3A_2, %add3A_105 : i32
    %dma_start3A_107 = arith.constant 0 : i32
    %dma_start3A_108 = tpu.memref_slice %arg4[%add3A_106, %dma_start3A_107] : memref<204800x128xf32, #tpu.memory_space<hbm>> -> memref<64x128xf32, #tpu.memory_space<hbm>>
    %dma_start3A_109 = arith.constant 0 : i32
    %dma_start3A_110 = tpu.memref_slice %arg4[%add3A_106, %dma_start3A_109] : memref<204800x128xf32, #tpu.memory_space<hbm>> -> memref<64x128xf32, #tpu.memory_space<hbm>>
    tpu.enqueue_dma source(%arg10 : memref<64x128xf32, #tpu.memory_space<vmem>>) target(%dma_start3A_110 : memref<64x128xf32, #tpu.memory_space<hbm>>) target_semaphore(%arg30 : memref<!tpu.dma_semaphore, #tpu.memory_space<semaphore_mem>>)
    %dma_wait3A_111 = arith.constant 6080 : i32
    %dma_wait3A_112 = tpu.memref_slice %arg5[%dma_wait3A_111] : memref<6400xi32, #tpu.memory_space<vmem>> -> memref<64xi32, #tpu.memory_space<vmem>>
    %dma_wait3A_113 = arith.constant 0 : i32
    %dma_wait3A_114 = arith.constant 0 : i32
    %dma_wait3A_115 = tpu.memref_slice %arg3[%dma_wait3A_113, %dma_wait3A_114] : memref<100000x128xf32, #tpu.memory_space<hbm>> -> memref<100000x128xf32, #tpu.memory_space<hbm>>
    tpu.wait_indirect_dma semaphore(%arg21 : memref<!tpu.dma_semaphore, #tpu.memory_space<semaphore_mem>>) src(%dma_wait3A_115 : memref<100000x128xf32, #tpu.memory_space<hbm>>) dst(%arg11 : memref<64x128xf32, #tpu.memory_space<vmem>>)
    %add3A_116 = arith.constant 6080 : i32
    %add3A_117 = arith.addi %mul3A_2, %add3A_116 : i32
    %dma_start3A_118 = arith.constant 0 : i32
    %dma_start3A_119 = tpu.memref_slice %arg4[%add3A_117, %dma_start3A_118] : memref<204800x128xf32, #tpu.memory_space<hbm>> -> memref<64x128xf32, #tpu.memory_space<hbm>>
    %dma_start3A_120 = arith.constant 0 : i32
    %dma_start3A_121 = tpu.memref_slice %arg4[%add3A_117, %dma_start3A_120] : memref<204800x128xf32, #tpu.memory_space<hbm>> -> memref<64x128xf32, #tpu.memory_space<hbm>>
    tpu.enqueue_dma source(%arg11 : memref<64x128xf32, #tpu.memory_space<vmem>>) target(%dma_start3A_121 : memref<64x128xf32, #tpu.memory_space<hbm>>) target_semaphore(%arg31 : memref<!tpu.dma_semaphore, #tpu.memory_space<semaphore_mem>>)
    %dma_wait3A_122 = arith.constant 6144 : i32
    %dma_wait3A_123 = tpu.memref_slice %arg5[%dma_wait3A_122] : memref<6400xi32, #tpu.memory_space<vmem>> -> memref<64xi32, #tpu.memory_space<vmem>>
    %dma_wait3A_124 = arith.constant 0 : i32
    %dma_wait3A_125 = arith.constant 0 : i32
    %dma_wait3A_126 = tpu.memref_slice %arg3[%dma_wait3A_124, %dma_wait3A_125] : memref<100000x128xf32, #tpu.memory_space<hbm>> -> memref<100000x128xf32, #tpu.memory_space<hbm>>
    tpu.wait_indirect_dma semaphore(%arg22 : memref<!tpu.dma_semaphore, #tpu.memory_space<semaphore_mem>>) src(%dma_wait3A_126 : memref<100000x128xf32, #tpu.memory_space<hbm>>) dst(%arg12 : memref<64x128xf32, #tpu.memory_space<vmem>>)
    %add3A_127 = arith.constant 6144 : i32
    %add3A_128 = arith.addi %mul3A_2, %add3A_127 : i32
    %dma_start3A_129 = arith.constant 0 : i32
    %dma_start3A_130 = tpu.memref_slice %arg4[%add3A_128, %dma_start3A_129] : memref<204800x128xf32, #tpu.memory_space<hbm>> -> memref<64x128xf32, #tpu.memory_space<hbm>>
    %dma_start3A_131 = arith.constant 0 : i32
    %dma_start3A_132 = tpu.memref_slice %arg4[%add3A_128, %dma_start3A_131] : memref<204800x128xf32, #tpu.memory_space<hbm>> -> memref<64x128xf32, #tpu.memory_space<hbm>>
    tpu.enqueue_dma source(%arg12 : memref<64x128xf32, #tpu.memory_space<vmem>>) target(%dma_start3A_132 : memref<64x128xf32, #tpu.memory_space<hbm>>) target_semaphore(%arg32 : memref<!tpu.dma_semaphore, #tpu.memory_space<semaphore_mem>>)
    %dma_wait3A_133 = arith.constant 6208 : i32
    %dma_wait3A_134 = tpu.memref_slice %arg5[%dma_wait3A_133] : memref<6400xi32, #tpu.memory_space<vmem>> -> memref<64xi32, #tpu.memory_space<vmem>>
    %dma_wait3A_135 = arith.constant 0 : i32
    %dma_wait3A_136 = arith.constant 0 : i32
    %dma_wait3A_137 = tpu.memref_slice %arg3[%dma_wait3A_135, %dma_wait3A_136] : memref<100000x128xf32, #tpu.memory_space<hbm>> -> memref<100000x128xf32, #tpu.memory_space<hbm>>
    tpu.wait_indirect_dma semaphore(%arg23 : memref<!tpu.dma_semaphore, #tpu.memory_space<semaphore_mem>>) src(%dma_wait3A_137 : memref<100000x128xf32, #tpu.memory_space<hbm>>) dst(%arg13 : memref<64x128xf32, #tpu.memory_space<vmem>>)
    %add3A_138 = arith.constant 6208 : i32
    %add3A_139 = arith.addi %mul3A_2, %add3A_138 : i32
    %dma_start3A_140 = arith.constant 0 : i32
    %dma_start3A_141 = tpu.memref_slice %arg4[%add3A_139, %dma_start3A_140] : memref<204800x128xf32, #tpu.memory_space<hbm>> -> memref<64x128xf32, #tpu.memory_space<hbm>>
    %dma_start3A_142 = arith.constant 0 : i32
    %dma_start3A_143 = tpu.memref_slice %arg4[%add3A_139, %dma_start3A_142] : memref<204800x128xf32, #tpu.memory_space<hbm>> -> memref<64x128xf32, #tpu.memory_space<hbm>>
    tpu.enqueue_dma source(%arg13 : memref<64x128xf32, #tpu.memory_space<vmem>>) target(%dma_start3A_143 : memref<64x128xf32, #tpu.memory_space<hbm>>) target_semaphore(%arg33 : memref<!tpu.dma_semaphore, #tpu.memory_space<semaphore_mem>>)
    %dma_wait3A_144 = arith.constant 6272 : i32
    %dma_wait3A_145 = tpu.memref_slice %arg5[%dma_wait3A_144] : memref<6400xi32, #tpu.memory_space<vmem>> -> memref<64xi32, #tpu.memory_space<vmem>>
    %dma_wait3A_146 = arith.constant 0 : i32
    %dma_wait3A_147 = arith.constant 0 : i32
    %dma_wait3A_148 = tpu.memref_slice %arg3[%dma_wait3A_146, %dma_wait3A_147] : memref<100000x128xf32, #tpu.memory_space<hbm>> -> memref<100000x128xf32, #tpu.memory_space<hbm>>
    tpu.wait_indirect_dma semaphore(%arg24 : memref<!tpu.dma_semaphore, #tpu.memory_space<semaphore_mem>>) src(%dma_wait3A_148 : memref<100000x128xf32, #tpu.memory_space<hbm>>) dst(%arg14 : memref<64x128xf32, #tpu.memory_space<vmem>>)
    %add3A_149 = arith.constant 6272 : i32
    %add3A_150 = arith.addi %mul3A_2, %add3A_149 : i32
    %dma_start3A_151 = arith.constant 0 : i32
    %dma_start3A_152 = tpu.memref_slice %arg4[%add3A_150, %dma_start3A_151] : memref<204800x128xf32, #tpu.memory_space<hbm>> -> memref<64x128xf32, #tpu.memory_space<hbm>>
    %dma_start3A_153 = arith.constant 0 : i32
    %dma_start3A_154 = tpu.memref_slice %arg4[%add3A_150, %dma_start3A_153] : memref<204800x128xf32, #tpu.memory_space<hbm>> -> memref<64x128xf32, #tpu.memory_space<hbm>>
    tpu.enqueue_dma source(%arg14 : memref<64x128xf32, #tpu.memory_space<vmem>>) target(%dma_start3A_154 : memref<64x128xf32, #tpu.memory_space<hbm>>) target_semaphore(%arg34 : memref<!tpu.dma_semaphore, #tpu.memory_space<semaphore_mem>>)
    %dma_wait3A_155 = arith.constant 6336 : i32
    %dma_wait3A_156 = tpu.memref_slice %arg5[%dma_wait3A_155] : memref<6400xi32, #tpu.memory_space<vmem>> -> memref<64xi32, #tpu.memory_space<vmem>>
    %dma_wait3A_157 = arith.constant 0 : i32
    %dma_wait3A_158 = arith.constant 0 : i32
    %dma_wait3A_159 = tpu.memref_slice %arg3[%dma_wait3A_157, %dma_wait3A_158] : memref<100000x128xf32, #tpu.memory_space<hbm>> -> memref<100000x128xf32, #tpu.memory_space<hbm>>
    tpu.wait_indirect_dma semaphore(%arg25 : memref<!tpu.dma_semaphore, #tpu.memory_space<semaphore_mem>>) src(%dma_wait3A_159 : memref<100000x128xf32, #tpu.memory_space<hbm>>) dst(%arg15 : memref<64x128xf32, #tpu.memory_space<vmem>>)
    %add3A_160 = arith.constant 6336 : i32
    %add3A_161 = arith.addi %mul3A_2, %add3A_160 : i32
    %dma_start3A_162 = arith.constant 0 : i32
    %dma_start3A_163 = tpu.memref_slice %arg4[%add3A_161, %dma_start3A_162] : memref<204800x128xf32, #tpu.memory_space<hbm>> -> memref<64x128xf32, #tpu.memory_space<hbm>>
    %dma_start3A_164 = arith.constant 0 : i32
    %dma_start3A_165 = tpu.memref_slice %arg4[%add3A_161, %dma_start3A_164] : memref<204800x128xf32, #tpu.memory_space<hbm>> -> memref<64x128xf32, #tpu.memory_space<hbm>>
    tpu.enqueue_dma source(%arg15 : memref<64x128xf32, #tpu.memory_space<vmem>>) target(%dma_start3A_165 : memref<64x128xf32, #tpu.memory_space<hbm>>) target_semaphore(%arg35 : memref<!tpu.dma_semaphore, #tpu.memory_space<semaphore_mem>>)
    %add3A_166 = arith.constant 5760 : i32
    %add3A_167 = arith.addi %mul3A_2, %add3A_166 : i32
    %dma_wait3A_168 = arith.constant 0 : i32
    %dma_wait3A_169 = tpu.memref_slice %arg4[%add3A_167, %dma_wait3A_168] : memref<204800x128xf32, #tpu.memory_space<hbm>> -> memref<64x128xf32, #tpu.memory_space<hbm>>
    %dma_wait3A_170 = arith.constant 0 : i32
    %dma_wait3A_171 = tpu.memref_slice %arg4[%add3A_167, %dma_wait3A_170] : memref<204800x128xf32, #tpu.memory_space<hbm>> -> memref<64x128xf32, #tpu.memory_space<hbm>>
    tpu.wait_dma2 semaphore(%arg26 : memref<!tpu.dma_semaphore, #tpu.memory_space<semaphore_mem>>) src(%arg6 : memref<64x128xf32, #tpu.memory_space<vmem>>) dst(%dma_wait3A_171 : memref<64x128xf32, #tpu.memory_space<hbm>>)
    %add3A_172 = arith.constant 5824 : i32
    %add3A_173 = arith.addi %mul3A_2, %add3A_172 : i32
    %dma_wait3A_174 = arith.constant 0 : i32
    %dma_wait3A_175 = tpu.memref_slice %arg4[%add3A_173, %dma_wait3A_174] : memref<204800x128xf32, #tpu.memory_space<hbm>> -> memref<64x128xf32, #tpu.memory_space<hbm>>
    %dma_wait3A_176 = arith.constant 0 : i32
    %dma_wait3A_177 = tpu.memref_slice %arg4[%add3A_173, %dma_wait3A_176] : memref<204800x128xf32, #tpu.memory_space<hbm>> -> memref<64x128xf32, #tpu.memory_space<hbm>>
    tpu.wait_dma2 semaphore(%arg27 : memref<!tpu.dma_semaphore, #tpu.memory_space<semaphore_mem>>) src(%arg7 : memref<64x128xf32, #tpu.memory_space<vmem>>) dst(%dma_wait3A_177 : memref<64x128xf32, #tpu.memory_space<hbm>>)
    %add3A_178 = arith.constant 5888 : i32
    %add3A_179 = arith.addi %mul3A_2, %add3A_178 : i32
    %dma_wait3A_180 = arith.constant 0 : i32
    %dma_wait3A_181 = tpu.memref_slice %arg4[%add3A_179, %dma_wait3A_180] : memref<204800x128xf32, #tpu.memory_space<hbm>> -> memref<64x128xf32, #tpu.memory_space<hbm>>
    %dma_wait3A_182 = arith.constant 0 : i32
    %dma_wait3A_183 = tpu.memref_slice %arg4[%add3A_179, %dma_wait3A_182] : memref<204800x128xf32, #tpu.memory_space<hbm>> -> memref<64x128xf32, #tpu.memory_space<hbm>>
    tpu.wait_dma2 semaphore(%arg28 : memref<!tpu.dma_semaphore, #tpu.memory_space<semaphore_mem>>) src(%arg8 : memref<64x128xf32, #tpu.memory_space<vmem>>) dst(%dma_wait3A_183 : memref<64x128xf32, #tpu.memory_space<hbm>>)
    %add3A_184 = arith.constant 5952 : i32
    %add3A_185 = arith.addi %mul3A_2, %add3A_184 : i32
    %dma_wait3A_186 = arith.constant 0 : i32
    %dma_wait3A_187 = tpu.memref_slice %arg4[%add3A_185, %dma_wait3A_186] : memref<204800x128xf32, #tpu.memory_space<hbm>> -> memref<64x128xf32, #tpu.memory_space<hbm>>
    %dma_wait3A_188 = arith.constant 0 : i32
    %dma_wait3A_189 = tpu.memref_slice %arg4[%add3A_185, %dma_wait3A_188] : memref<204800x128xf32, #tpu.memory_space<hbm>> -> memref<64x128xf32, #tpu.memory_space<hbm>>
    tpu.wait_dma2 semaphore(%arg29 : memref<!tpu.dma_semaphore, #tpu.memory_space<semaphore_mem>>) src(%arg9 : memref<64x128xf32, #tpu.memory_space<vmem>>) dst(%dma_wait3A_189 : memref<64x128xf32, #tpu.memory_space<hbm>>)
    %add3A_190 = arith.constant 6016 : i32
    %add3A_191 = arith.addi %mul3A_2, %add3A_190 : i32
    %dma_wait3A_192 = arith.constant 0 : i32
    %dma_wait3A_193 = tpu.memref_slice %arg4[%add3A_191, %dma_wait3A_192] : memref<204800x128xf32, #tpu.memory_space<hbm>> -> memref<64x128xf32, #tpu.memory_space<hbm>>
    %dma_wait3A_194 = arith.constant 0 : i32
    %dma_wait3A_195 = tpu.memref_slice %arg4[%add3A_191, %dma_wait3A_194] : memref<204800x128xf32, #tpu.memory_space<hbm>> -> memref<64x128xf32, #tpu.memory_space<hbm>>
    tpu.wait_dma2 semaphore(%arg30 : memref<!tpu.dma_semaphore, #tpu.memory_space<semaphore_mem>>) src(%arg10 : memref<64x128xf32, #tpu.memory_space<vmem>>) dst(%dma_wait3A_195 : memref<64x128xf32, #tpu.memory_space<hbm>>)
    %add3A_196 = arith.constant 6080 : i32
    %add3A_197 = arith.addi %mul3A_2, %add3A_196 : i32
    %dma_wait3A_198 = arith.constant 0 : i32
    %dma_wait3A_199 = tpu.memref_slice %arg4[%add3A_197, %dma_wait3A_198] : memref<204800x128xf32, #tpu.memory_space<hbm>> -> memref<64x128xf32, #tpu.memory_space<hbm>>
    %dma_wait3A_200 = arith.constant 0 : i32
    %dma_wait3A_201 = tpu.memref_slice %arg4[%add3A_197, %dma_wait3A_200] : memref<204800x128xf32, #tpu.memory_space<hbm>> -> memref<64x128xf32, #tpu.memory_space<hbm>>
    tpu.wait_dma2 semaphore(%arg31 : memref<!tpu.dma_semaphore, #tpu.memory_space<semaphore_mem>>) src(%arg11 : memref<64x128xf32, #tpu.memory_space<vmem>>) dst(%dma_wait3A_201 : memref<64x128xf32, #tpu.memory_space<hbm>>)
    %add3A_202 = arith.constant 6144 : i32
    %add3A_203 = arith.addi %mul3A_2, %add3A_202 : i32
    %dma_wait3A_204 = arith.constant 0 : i32
    %dma_wait3A_205 = tpu.memref_slice %arg4[%add3A_203, %dma_wait3A_204] : memref<204800x128xf32, #tpu.memory_space<hbm>> -> memref<64x128xf32, #tpu.memory_space<hbm>>
    %dma_wait3A_206 = arith.constant 0 : i32
    %dma_wait3A_207 = tpu.memref_slice %arg4[%add3A_203, %dma_wait3A_206] : memref<204800x128xf32, #tpu.memory_space<hbm>> -> memref<64x128xf32, #tpu.memory_space<hbm>>
    tpu.wait_dma2 semaphore(%arg32 : memref<!tpu.dma_semaphore, #tpu.memory_space<semaphore_mem>>) src(%arg12 : memref<64x128xf32, #tpu.memory_space<vmem>>) dst(%dma_wait3A_207 : memref<64x128xf32, #tpu.memory_space<hbm>>)
    %add3A_208 = arith.constant 6208 : i32
    %add3A_209 = arith.addi %mul3A_2, %add3A_208 : i32
    %dma_wait3A_210 = arith.constant 0 : i32
    %dma_wait3A_211 = tpu.memref_slice %arg4[%add3A_209, %dma_wait3A_210] : memref<204800x128xf32, #tpu.memory_space<hbm>> -> memref<64x128xf32, #tpu.memory_space<hbm>>
    %dma_wait3A_212 = arith.constant 0 : i32
    %dma_wait3A_213 = tpu.memref_slice %arg4[%add3A_209, %dma_wait3A_212] : memref<204800x128xf32, #tpu.memory_space<hbm>> -> memref<64x128xf32, #tpu.memory_space<hbm>>
    tpu.wait_dma2 semaphore(%arg33 : memref<!tpu.dma_semaphore, #tpu.memory_space<semaphore_mem>>) src(%arg13 : memref<64x128xf32, #tpu.memory_space<vmem>>) dst(%dma_wait3A_213 : memref<64x128xf32, #tpu.memory_space<hbm>>)
    %add3A_214 = arith.constant 6272 : i32
    %add3A_215 = arith.addi %mul3A_2, %add3A_214 : i32
    %dma_wait3A_216 = arith.constant 0 : i32
    %dma_wait3A_217 = tpu.memref_slice %arg4[%add3A_215, %dma_wait3A_216] : memref<204800x128xf32, #tpu.memory_space<hbm>> -> memref<64x128xf32, #tpu.memory_space<hbm>>
    %dma_wait3A_218 = arith.constant 0 : i32
    %dma_wait3A_219 = tpu.memref_slice %arg4[%add3A_215, %dma_wait3A_218] : memref<204800x128xf32, #tpu.memory_space<hbm>> -> memref<64x128xf32, #tpu.memory_space<hbm>>
    tpu.wait_dma2 semaphore(%arg34 : memref<!tpu.dma_semaphore, #tpu.memory_space<semaphore_mem>>) src(%arg14 : memref<64x128xf32, #tpu.memory_space<vmem>>) dst(%dma_wait3A_219 : memref<64x128xf32, #tpu.memory_space<hbm>>)
    %add3A_220 = arith.constant 6336 : i32
    %add3A_221 = arith.addi %mul3A_2, %add3A_220 : i32
    %dma_wait3A_222 = arith.constant 0 : i32
    %dma_wait3A_223 = tpu.memref_slice %arg4[%add3A_221, %dma_wait3A_222] : memref<204800x128xf32, #tpu.memory_space<hbm>> -> memref<64x128xf32, #tpu.memory_space<hbm>>
    %dma_wait3A_224 = arith.constant 0 : i32
    %dma_wait3A_225 = tpu.memref_slice %arg4[%add3A_221, %dma_wait3A_224] : memref<204800x128xf32, #tpu.memory_space<hbm>> -> memref<64x128xf32, #tpu.memory_space<hbm>>
    tpu.wait_dma2 semaphore(%arg35 : memref<!tpu.dma_semaphore, #tpu.memory_space<semaphore_mem>>) src(%arg15 : memref<64x128xf32, #tpu.memory_space<vmem>>) dst(%dma_wait3A_225 : memref<64x128xf32, #tpu.memory_space<hbm>>)
    return
  }
}

</mosaic_0001>

<sc_bundles>
// kernel: kernel.3.cloned.1.call-start
scs
__scs_entry_jumppad:
0x0: {  	(pc) =	sbr.rel $0x88, $3  }
0x1: {  	(tag) =	ssettag $0x0;
	lr =	simm.s32 $0x1  }
0x2: {  	[smem:$0x3F9F] =	sst lr;
	_ =	strace $0xD0000000  }
0x3: {  	_ = 	snop  }
0x4: {  	_ = 	snop  }
0x5: {  	_ = 	snop  }
0x6: {  	_ = 	snop  }
0x7: {  	_ = 	snop  }
__scs_overlays_trampoline_lowered:
0x8: {  	[smem:$0x3FAE] =	sst s0  }
0x9: {  	[smem:$0x3FAF] =	sst s1  }
0xa: {  	[smem:$0x3FB0] =	sst s2  }
0xb: {  	[smem:$0x3FB1] =	sst s3  }
0xc: {  	[smem:$0x3FB2] =	sst s4  }
0xd: {  	[smem:$0x3FB3] =	sst s5  }
0xe: {  	[smem:$0x3FB4] =	sst s6  }
0xf: {  	[smem:$0x3FB5] =	sst s7  }
0x10: {  	[smem:$0x3FB6] =	sst s8  }
0x11: {  	[smem:$0x3FB7] =	sst s9;
	s0 =	simm.s32 @!p0 $0x0  }
0x12: {  	s1 =	sld [smem:$0x3F9D];
	s0 =	simm.s32 @p0 $0x1  }
0x13: {  	[smem:$0x3FB8] =	sst s0;
	s0 =	simm.s32 @!p1 $0x0  }
0x14: {  	s2 =	sld [smem:$0x3F9C];
	s0 =	simm.s32 @p1 $0x1  }
0x15: {  	[smem:$0x3FB9] =	sst s0;
	s0 =	simm.s32 @!p2 $0x0  }
0x16: {  	s3 =	sld [smem:$0x3FDB];
	s0 =	simm.s32 @p2 $0x1  }
0x17: {  	s4 =	simm.s32 $0x1BF5;
	[smem:$0x3FBB] =	sst s0  }
0x18: {  	s0 =	sld [smem:$0x3F9E];
	_ =	swait.ge [sflag:s4], $0x0  }
0x19: {  	s7 =	sld [smem:$0x3F9F]  }
0x1a: {  	s8 =	sadd.s32 $0xFFFFE003, lr  }
0x1b: {  	s9 =	sadd.s32 $0xFFFFFEF7, lr;
	s5 =	simm.s32 $0xFFFFFFFF;
	p2 =	slt.u32 s8, $0xFFFFF086  }
0x1c: {  	p1 =	slt.u32 s9, $0xF7A;
	s5 =	simm.s32 @!p2 $0x0  }
0x1d: {  	s5 =	simm.s32 @p1 $0x1;
	p0 =	seq.s32 s7, s2  }
0x1e: {  	s7 =	smul.u32 @!p0 $0xF7A, s2;
	p2 =	seq.s32 @!p0 s5, $0x0  }
0x1f: {  	s9 =	smul.u32 $0xF7A, s1;
	s8 =	simm.s32 @!p0 $0x1BF5;
	p2 =	por !p2, p0  }
0x20: {  	[sflag:s8] =	ssyncset.s32 @!p0 $0xFFFFF086;
	s6 =	sadd.s32 @!p0 s3, s7;
	s7 =	simm.s32 @!p0 $0x108  }
0x21: {  	s3 =	sadd.s32 s3, s9;
	s6 =	sadd.s32 @!p0 $0x88, s6;
	s7 =	simm.s32 @p2 $0x1082  }
0x22: {  	[simem:s7], [sflag:s8] =	dma.local @!p0 [hbm:s6], $0xF7A  }
0x23: {  	s9 =	sor.u32 $0xD0000000, s2;
	s6 =	simm.s32 $0x108;
	_ =	swait.ge @!p0 [sflag:s8], $0x0  }
0x24: {  	s3 =	sadd.s32 $0x88, s3;
	s6 =	simm.s32 @!p1 $0x1082;
	[sflag:s4] =	ssyncset.s32 $0xFFFFF086  }
0x25: {  	[simem:s6], [sflag:s4] =	dma.local [hbm:s3], $0xF7A  }
0x26: {  	[smem:$0x3F9F] =	sst s1;
	(tag) =	ssettag s2;
	_ =	strace s9  }
0x27: {  	s1 =	sld [smem:$0x3FAF]  }
0x28: {  	s2 =	sld [smem:$0x3FB0]  }
0x29: {  	s4 =	sld [smem:$0x3FB2]  }
0x2a: {  	p0 =	seq.s32 s5, $0x0;
	s5 =	sld [smem:$0x3FB3]  }
0x2b: {  	s6 =	sld [smem:$0x3FB4]  }
0x2c: {  	s7 =	sld [smem:$0x3FB5]  }
0x2d: {  	s3 =	simm.s32 $0x108;
	s8 =	sld [smem:$0x3FB6]  }
0x2e: {  	s3 =	simm.s32 @!p0 $0x1082;
	s9 =	sld [smem:$0x3FB7]  }
0x2f: {  	lr =	sadd.s32 s0, s3;
	s0 =	sld [smem:$0x3FAE]  }
0x30: {  	s3 =	sld [smem:$0x3FB1]  }
0x31: {  	[smem:$0x3FBA] =	sst s10  }
0x32: {  	s10 =	sld [smem:$0x3FB8];
	_ =	sdelay $0x3  }
0x33: {  	p0 =	seq.s32 s10, $0x1;
	s10 =	sld [smem:$0x3FBA];
	_ =	sdelay $0x3  }
0x34: {  	[smem:$0x3FBA] =	sst s10  }
0x35: {  	s10 =	sld [smem:$0x3FB9];
	_ =	sdelay $0x3  }
0x36: {  	p1 =	seq.s32 s10, $0x1;
	s10 =	sld [smem:$0x3FBA];
	_ =	sdelay $0x3  }
0x37: {  	[smem:$0x3FBA] =	sst s10  }
0x38: {  	s10 =	sld [smem:$0x3FBB]  }
0x39: {  	_ = 	snop;
	(pc) =	sbr.ind lr, $3  }
0x3a: {  	_ = 	snop  }
0x3b: {  	_ = 	snop  }
0x3c: {  	p2 =	seq.s32 s10, $0x1;
	s10 =	sld [smem:$0x3FBA]  }
0x3d: {  	_ =	shalt  }
0x3e: {  	_ =	shalt  }
0x3f: {  	_ =	shalt  }
0x40: {  	_ =	shalt  }
0x41: {  	_ =	shalt  }
0x42: {  	_ =	shalt  }
0x43: {  	_ =	shalt  }
0x44: {  	_ =	shalt  }
0x45: {  	_ =	shalt  }
0x46: {  	_ =	shalt  }
0x47: {  	_ =	shalt  }
0x48: {  	_ =	shalt  }
0x49: {  	_ =	shalt  }
0x4a: {  	_ =	shalt  }
0x4b: {  	_ =	shalt  }
0x4c: {  	_ =	shalt  }
0x4d: {  	_ =	shalt  }
0x4e: {  	_ =	shalt  }
0x4f: {  	_ =	shalt  }
0x50: {  	_ =	shalt  }
0x51: {  	_ =	shalt  }
0x52: {  	_ =	shalt  }
0x53: {  	_ =	shalt  }
0x54: {  	_ =	shalt  }
0x55: {  	_ =	shalt  }
0x56: {  	_ =	shalt  }
0x57: {  	_ =	shalt  }
0x58: {  	_ =	shalt  }
0x59: {  	_ =	shalt  }
0x5a: {  	_ =	shalt  }
0x5b: {  	_ =	shalt  }
0x5c: {  	_ =	shalt  }
0x5d: {  	_ =	shalt  }
0x5e: {  	_ =	shalt  }
0x5f: {  	_ =	shalt  }
0x60: {  	_ =	shalt  }
0x61: {  	_ =	shalt  }
0x62: {  	_ =	shalt  }
0x63: {  	_ =	shalt  }
0x64: {  	_ =	shalt  }
0x65: {  	_ =	shalt  }
0x66: {  	_ =	shalt  }
0x67: {  	_ =	shalt  }
0x68: {  	_ =	shalt  }
0x69: {  	_ =	shalt  }
0x6a: {  	_ =	shalt  }
0x6b: {  	_ =	shalt  }
0x6c: {  	_ =	shalt  }
0x6d: {  	_ =	shalt  }
0x6e: {  	_ =	shalt  }
0x6f: {  	_ =	shalt  }
0x70: {  	_ =	shalt  }
0x71: {  	_ =	shalt  }
0x72: {  	_ =	shalt  }
0x73: {  	_ =	shalt  }
0x74: {  	_ =	shalt  }
0x75: {  	_ =	shalt  }
0x76: {  	_ =	shalt  }
0x77: {  	_ =	shalt  }
0x78: {  	_ =	shalt  }
0x79: {  	_ =	shalt  }
0x7a: {  	_ =	shalt  }
0x7b: {  	_ =	shalt  }
0x7c: {  	_ =	shalt  }
0x7d: {  	_ =	shalt  }
0x7e: {  	_ =	shalt  }
0x7f: {  	_ =	shalt  }
0x80: {  	_ =	shalt  }
0x81: {  	_ =	shalt  }
0x82: {  	_ =	shalt  }
0x83: {  	_ =	shalt  }
0x84: {  	_ =	shalt  }
0x85: {  	_ =	shalt  }
0x86: {  	_ =	shalt  }
0x87: {  	_ =	shalt  }
.Lfunc_end0:
.L_simem_size_0:
called_computation_lowered:
.L_overlay_start_0:
0x88: {  	s2 =	sld [smem:$0x3FD9]  }
0x89: {  	s3 =	sld [smem:$0x3FFE];
	_ =	sdelay $0x1  }
0x8a: {  	s1 =	srdreg.scid  }
0x8b: {  	s0 =	sand.u32 $0x1, s1  }
0x8c: {  	s17 =	sshll.u32 s0, $0xA;
	s2 =	sadd.s32 s3, s2  }
0x8d: {  	s2 =	sadd.s32 s2, s17  }
0x8e: {  	[smem:$0x3FC6] =	sst s2  }
0x8f: {  	_ = 	snop  }
0x90: {  	s2 =	sld [smem:$0x3FC8]  }
0x91: {  	s18 =	sld [smem:$0x3FD0];
	(tm) =	ssettm $0x1  }
0x92: {  	s4 =	sld [smem:$0x3FFB];
	_ =	sdelay $0x3  }
0x93: {  	_ =	strace s4  }
0x94: {  	s4 =	sld [smem:$0x3FFC];
	_ =	sdelay $0x3  }
0x95: {  	_ =	strace s4  }
0x96: {  	s4 =	sld [smem:$0x3FFD];
	_ =	sdelay $0x3  }
0x97: {  	_ =	strace s4  }
0x98: {  	_ =	strace $0x8FFFFFFF  }
0x99: {  	s19 =	sld [smem:$0x3FDB];
	_ =	sdelay $0x1  }
0x9a: {  	s5 =	simm.s32 $_scs_section_size  }
0x9b: {  	s6 =	simm.s32 $_size__tile_overlayer_lowered;
	s7 =	simm.s32 $_tile_overlayer_lowered  }
0x9c: {  	s22 =	simm.s32 $0x1BFF;
	s21 =	sshll.u32 s7, $0x1;
	s4 =	sadd.s32 s5, s19  }
0x9d: {  	s8 =	simm.s32 $0x0;
	s20 =	sshll.u32 s6, $0x1;
	s6 =	sadd.s32 s21, s4  }
0x9e: {  	[timem:s8], [sflag:s22] =	dma.local [hbm:s6], s20  }
0x9f: {  	_ =	swait.ge [sflag:s22], s20  }
0xa0: {  	s5 =	ssub.s32 $0x0, s20;
	[sflag:s22] =	ssyncset.done $0x0  }
0xa1: {  	[sflag:s22] =	ssyncadd.s32 s5;
	_ =	sdelay $0x1  }
0xa2: {  	s23 =	simm.s32 $0x1B8B  }
0xa3: {  	_ =	swait.ge [sflag:s23], $0x1  }
0xa4: {  	[sflag:s23] =	ssyncset.done $0x0  }
0xa5: {  	s25 =	simm.s32 $0x1B8E;
	s24 =	sld [smem:$0x3FFE];
	[sflag:s23] =	ssyncadd.s32 $0xFFFFFFFF  }
0xa6: {  	s26 =	simm.s32 $execute0_lowered;
	[smem:$0x3FD2] =	sst s25  }
0xa7: {  	s6 =	sshll.u32 s26, $0x1;
	_ =	strace $0x80000046;
	[dreg:$0x1] =	wrdreg $0xFFFFFFFF  }
0xa8: {  	s28 =	simm.s32 $_size_execute0_lowered;
	s4 =	sadd.s32 s4, s6;
	[dreg:$0x0] =	wrdreg $0x0  }
0xa9: {  	s6 =	sshll.u32 s28, $0x1;
	[dreg:$0x2] =	wrdreg s4  }
0xaa: {  	[dreg:$0x3] =	wrdreg s6  }
0xab: {  	[dreg:$0x4] =	wrdreg $0xC0  }
0xac: {  	_ =	task [dreg:s8], $0x5FFFF  }
0xad: {  	[dreg:$0x1] =	wrdreg $0xFFFFFFFF  }
0xae: {  	[dreg:$0x0] =	wrdreg $0x60  }
0xaf: {  	[dreg:$0x2] =	wrdreg s24  }
0xb0: {  	[dreg:$0x3] =	wrdreg s2  }
0xb1: {  	[dreg:$0x4] =	wrdreg s18  }
0xb2: {  	[dreg:$0x5] =	wrdreg $0x9  }
0xb3: {  	_ =	task.clear_ibuf [dreg:s8], $0x6FFFF;
	_ =	strace $0x90000046  }
0xb4: {  	s29 =	simm.s32 $0x9;
	_ =	strace $0x80000048  }
0xb5: {  	_ =	swait.ge [sflag:s29], $0x1  }
0xb6: {  	[sflag:s29] =	ssyncadd.s32 $0xFFFFFFFF  }
0xb7: {  	_ =	strace $0x90000048  }
0xb8: {  	_ =	sfence  }
0xb9: {  	s30 =	sld [smem:$0x0];
	_ =	sdelay $0x2  }
0xba: {  	s31 =	sshll.u32 s1, $0xD;
	s1 =	sshrl.u32 s1, $0x2  }
0xbb: {  	s3 =	sand.u32 $0x4000, s31;
	s1 =	sadd.s32 s1, s30  }
0xbc: {  	s0 =	sor.u32 s3, s0;
	s1 =	sshll.u32 s1, $0x11  }
0xbd: {  	s0 =	sor.u32 s1, s0  }
0xbe: {  	s0 =	sadd.s32 $0x8F2B, s0  }
0xbf: {  	[sflag:s0] =	ssyncadd.remote.s32 $0x1  }
0xc0: {  	_ =	sfence.sel $0xFFFF  }
0xc1: {  	[dreg:$0x0] =	wrdreg $0xFFFFFFFF;
	(pc) =	sbr.abs _section_cstart, $3  }
0xc2: {  	[dreg:$0x1] =	wrdreg $0xFFFFFFFF  }
0xc3: {  	_ =	task.clear_ibuf [dreg:s8], $0x2FFFF;
	_ =	strace $0x9FFFFFFF  }
0xc4: {  	(tm) =	ssettm $0x7FFFFFFF  }
0xc5: {  	_ =	shalt  }
tec
execute0_lowered:
.L_overlay_start_1:
0x0: {  	(tag) =	ssettag $0x1  }
0x1: {  	s0 =	rddreg [dreg:$0x0]  }
0x2: {  	s1 =	srdreg.scid;
	s2 =	rddreg [dreg:$0x1]  }
0x3: {  	s8 =	stileid.u32;
	s4 =	rddreg [dreg:$0x2];
	s9 =	simm.s32 $0xF  }
0x4: {  	s10 =	simm.s32 $0x6;
	s1 =	sand.u32 $0x1, s1;
	s3 =	sshll.u32 s8, $0x1  }
0x5: {  	s11 =	simm.s32 $0x10;
	s12 =	simm.s32 $0x7;
	s5 =	sor.u32 s1, s3  }
0x6: {  	s13 =	simm.s32 $0x11;
	s14 =	simm.s32 $0x8;
	s6 =	smul.u32 $0x1900, s5  }
0x7: {  	s15 =	simm.s32 $0x12;
	s16 =	simm.s32 $0x13;
	s5 =	smul.u32 $0xC8000, s5  }
0x8: {  	s31 =	simm.s32 $0x1900;
	s23 =	smul.u32 $0x32000, s8;
	s6 =	sshrl.u32 s6, $0x3  }
0x9: {  	s3 =	simm.s32 $0x0;
	s5 =	sshrl.u32 s5, $0x3;
	s0 =	sadd.s32 s6, s0  }
0xa: {  	[smem:$0x7FF] =	sst s3;
	s18 =	sadd.s32 s4, s5;
	s0 =	sadd.s32 $0x400, s0  }
0xb: {  	_ =	strace $0x80000047;
	s5 =	sadd.s32 $0x16800, s18;
	[dreg:$0x4] =	wrdreg s0  }
0xc: {  	s8 =	simm.s32 $0x5;
	s19 =	sadd.s32 $0x16C00, s18;
	[dreg:$0x5] =	wrdreg s5  }
0xd: {  	s7 =	ssub.s32 $0x2, s1;
	s20 =	sadd.s32 $0x17000, s18;
	[dreg:$0x6] =	wrdreg s19  }
0xe: {  	s1 =	smul.u32 $0x19000, s1;
	s21 =	sadd.s32 $0x17400, s18;
	[dreg:$0x7] =	wrdreg s20  }
0xf: {  	s17 =	sshrl.u32 s7, $0x1;
	s22 =	sadd.s32 $0x17800, s18;
	[dreg:$0x8] =	wrdreg s21  }
0x10: {  	s6 =	ssub.s32 s7, s17;
	s24 =	sadd.s32 $0x17C00, s18;
	[dreg:$0x9] =	wrdreg s22  }
0x11: {  	s4 =	sadd.s32 s23, s4;
	s25 =	sadd.s32 $0x18000, s18;
	[dreg:$0xa] =	wrdreg s24  }
0x12: {  	s7 =	simm.s32 $0xE;
	s26 =	sadd.s32 $0x18400, s18;
	[dreg:$0xb] =	wrdreg s25  }
0x13: {  	s17 =	simm.s32 $0x9;
	s28 =	sadd.s32 $0x18800, s18;
	[dreg:$0xc] =	wrdreg s26  }
0x14: {  	s29 =	smax.u32 s6, $0x1;
	s30 =	sadd.s32 s1, s4;
	[dreg:$0xd] =	wrdreg s28  }
0x15: {  	s0 =	sadd.s32 $0x18C00, s18;
	[dreg:$0xf] =	wrdreg s29;
	s18 =	simm.s32 $0x40  }
0x16: {  	s19 =	simm.s32 $0xA;
	[dreg:$0xe] =	wrdreg s0;
	s0 =	sadd.s32 $0x2400, s30  }
0x17: {  	s20 =	simm.s32 $0x14;
	[dreg:$0x10] =	wrdreg s0;
	s0 =	simm.s32 $0x0  }
.LBB2_1:
0x18: {  	[dreg:$0x11] =	wrdreg s0  }
0x19: {  	s22 =	rddreg [dreg:$0x4];
	s28 =	simm.s32 $0x15  }
0x1a: {  	[tilespmem:s3], [sflag:$0x15] =	stream.linear.gather [hbm4b:s22+s3], $0x1900, $0x38;
	[tilespmem:$0x15900] =	vst v63  }
0x1b: {  	_ =	swait.ge [sflag:s28], $0x1900  }
0x1c: {  	[sflag:s28] =	ssyncset.done $0x0  }
0x1d: {  	s26 =	simm.s32 $0x1900;
	[sflag:s28] =	ssyncadd.s32 $0xFFFFE700  }
0x1e: {  	[tilespmem:s26], [sflag:$0x1] =	stream.indirect.gather [hbm4b:s2+s18], $0x80, s3, s18, $0xb8;
	[tilespmem:$0x15900] =	vst v63  }
0x1f: {  	s0 =	simm.s32 $0x3900  }
0x20: {  	[tilespmem:s0], [sflag:$0x2] =	stream.indirect.gather [hbm4b:s2+s18], $0x80, s18, s18, $0xb8;
	[tilespmem:$0x15900] =	vst v63  }
0x21: {  	s29 =	simm.s32 $0x80;
	s23 =	simm.s32 $0x5900  }
0x22: {  	[tilespmem:s23], [sflag:$0x3] =	stream.indirect.gather [hbm4b:s2+s18], $0x80, s29, s18, $0xb8;
	[tilespmem:$0x15900] =	vst v63  }
0x23: {  	s30 =	simm.s32 $0xC0;
	s28 =	simm.s32 $0x7900  }
0x24: {  	[tilespmem:s28], [sflag:$0x4] =	stream.indirect.gather [hbm4b:s2+s18], $0x80, s30, s18, $0xb8;
	[tilespmem:$0x15900] =	vst v63  }
0x25: {  	s1 =	simm.s32 $0x100;
	s29 =	simm.s32 $0x9900  }
0x26: {  	[tilespmem:s29], [sflag:$0x5] =	stream.indirect.gather [hbm4b:s2+s18], $0x80, s1, s18, $0xb8;
	[tilespmem:$0x15900] =	vst v63  }
0x27: {  	s30 =	simm.s32 $0xB900;
	s1 =	simm.s32 $0x140  }
0x28: {  	[tilespmem:s30], [sflag:$0x6] =	stream.indirect.gather [hbm4b:s2+s18], $0x80, s1, s18, $0xb8;
	[tilespmem:$0x15900] =	vst v63  }
0x29: {  	s4 =	simm.s32 $0x180;
	s21 =	simm.s32 $0xD900  }
0x2a: {  	[tilespmem:s21], [sflag:$0x7] =	stream.indirect.gather [hbm4b:s2+s18], $0x80, s4, s18, $0xb8;
	[tilespmem:$0x15900] =	vst v63  }
0x2b: {  	s5 =	simm.s32 $0x1C0;
	s25 =	simm.s32 $0xF900  }
0x2c: {  	[tilespmem:s25], [sflag:$0x8] =	stream.indirect.gather [hbm4b:s2+s18], $0x80, s5, s18, $0xb8;
	[tilespmem:$0x15900] =	vst v63  }
0x2d: {  	s6 =	simm.s32 $0x200;
	s4 =	simm.s32 $0x11900  }
0x2e: {  	[tilespmem:s4], [sflag:$0x9] =	stream.indirect.gather [hbm4b:s2+s18], $0x80, s6, s18, $0xb8;
	[tilespmem:$0x15900] =	vst v63  }
0x2f: {  	s24 =	simm.s32 $0x1;
	s22 =	simm.s32 $0x240;
	s5 =	simm.s32 $0x13900  }
0x30: {  	[tilespmem:s5], [sflag:$0xA] =	stream.indirect.gather [hbm4b:s2+s18], $0x80, s22, s18, $0xb8;
	[tilespmem:$0x15900] =	vst v63  }
0x31: {  	_ =	swait.ge [sflag:s24], $0x2000  }
0x32: {  	[sflag:s24] =	ssyncset.done $0x0  }
0x33: {  	[sflag:s24] =	ssyncadd.s32 $0xFFFFE000;
	s24 =	rddreg [dreg:$0x10]  }
0x34: {  	s22 =	simm.s32 $0xB;
	s6 =	sadd.s32 $0xFFFFDC00, s24  }
0x35: {  	[hbm4b:s6+s3] =	stream.linear.scatter [tilespmem:s26], [sflag:$0xB], $0x2000, $0x38;
	[tilespmem:$0x15900] =	vst v63  }
0x36: {  	_ =	swait.ge [sflag:s22], $0x2000  }
0x37: {  	[sflag:s22] =	ssyncset.done $0x0  }
0x38: {  	s6 =	simm.s32 $0x280;
	[sflag:s22] =	ssyncadd.s32 $0xFFFFE000  }
0x39: {  	[tilespmem:s26], [sflag:$0x1] =	stream.indirect.gather [hbm4b:s2+s18], $0x80, s6, s18, $0xb8;
	[tilespmem:$0x15900] =	vst v63  }
0x3a: {  	s26 =	simm.s32 $0x2  }
0x3b: {  	_ =	swait.ge [sflag:s26], $0x2000  }
0x3c: {  	[sflag:s26] =	ssyncset.done $0x0  }
0x3d: {  	s22 =	simm.s32 $0xC;
	s6 =	sadd.s32 $0xFFFFE000, s24;
	[sflag:s26] =	ssyncadd.s32 $0xFFFFE000  }
0x3e: {  	[hbm4b:s6+s3] =	stream.linear.scatter [tilespmem:s0], [sflag:$0xC], $0x2000, $0x38;
	[tilespmem:$0x15900] =	vst v63  }
0x3f: {  	_ =	swait.ge [sflag:s22], $0x2000  }
0x40: {  	[sflag:s22] =	ssyncset.done $0x0  }
0x41: {  	s1 =	simm.s32 $0x3;
	s26 =	simm.s32 $0x2C0;
	[sflag:s22] =	ssyncadd.s32 $0xFFFFE000  }
0x42: {  	[tilespmem:s0], [sflag:$0x2] =	stream.indirect.gather [hbm4b:s2+s18], $0x80, s26, s18, $0xb8;
	[tilespmem:$0x15900] =	vst v63  }
0x43: {  	_ =	swait.ge [sflag:s1], $0x2000  }
0x44: {  	[sflag:s1] =	ssyncset.done $0x0  }
0x45: {  	s6 =	sadd.s32 $0xFFFFE400, s24;
	s26 =	simm.s32 $0xD;
	[sflag:s1] =	ssyncadd.s32 $0xFFFFE000  }
0x46: {  	[hbm4b:s6+s3] =	stream.linear.scatter [tilespmem:s23], [sflag:$0xD], $0x2000, $0x38;
	[tilespmem:$0x15900] =	vst v63  }
0x47: {  	_ =	swait.ge [sflag:s26], $0x2000  }
0x48: {  	[sflag:s26] =	ssyncset.done $0x0  }
0x49: {  	s0 =	simm.s32 $0x300;
	s1 =	simm.s32 $0x4;
	[sflag:s26] =	ssyncadd.s32 $0xFFFFE000  }
0x4a: {  	[tilespmem:s23], [sflag:$0x3] =	stream.indirect.gather [hbm4b:s2+s18], $0x80, s0, s18, $0xb8;
	[tilespmem:$0x15900] =	vst v63  }
0x4b: {  	_ =	swait.ge [sflag:s1], $0x2000  }
0x4c: {  	[sflag:s1] =	ssyncset.done $0x0  }
0x4d: {  	s6 =	sadd.s32 $0xFFFFE800, s24;
	[sflag:s1] =	ssyncadd.s32 $0xFFFFE000  }
0x4e: {  	[hbm4b:s6+s3] =	stream.linear.scatter [tilespmem:s28], [sflag:$0xE], $0x2000, $0x38;
	[tilespmem:$0x15900] =	vst v63  }
0x4f: {  	_ =	swait.ge [sflag:s7], $0x2000  }
0x50: {  	[sflag:s7] =	ssyncset.done $0x0  }
0x51: {  	s23 =	simm.s32 $0x340;
	[sflag:s7] =	ssyncadd.s32 $0xFFFFE000  }
0x52: {  	[tilespmem:s28], [sflag:$0x4] =	stream.indirect.gather [hbm4b:s2+s18], $0x80, s23, s18, $0xb8;
	[tilespmem:$0x15900] =	vst v63  }
0x53: {  	_ =	swait.ge [sflag:s8], $0x2000  }
0x54: {  	[sflag:s8] =	ssyncset.done $0x0  }
0x55: {  	s26 =	sadd.s32 $0xFFFFEC00, s24;
	[sflag:s8] =	ssyncadd.s32 $0xFFFFE000  }
0x56: {  	[hbm4b:s26+s3] =	stream.linear.scatter [tilespmem:s29], [sflag:$0xF], $0x2000, $0x38;
	[tilespmem:$0x15900] =	vst v63  }
0x57: {  	_ =	swait.ge [sflag:s9], $0x2000  }
0x58: {  	[sflag:s9] =	ssyncset.done $0x0  }
0x59: {  	s28 =	simm.s32 $0x380;
	[sflag:s9] =	ssyncadd.s32 $0xFFFFE000  }
0x5a: {  	[tilespmem:s29], [sflag:$0x5] =	stream.indirect.gather [hbm4b:s2+s18], $0x80, s28, s18, $0xb8;
	[tilespmem:$0x15900] =	vst v63  }
0x5b: {  	_ =	swait.ge [sflag:s10], $0x2000  }
0x5c: {  	[sflag:s10] =	ssyncset.done $0x0  }
0x5d: {  	s0 =	sadd.s32 $0xFFFFF000, s24;
	[sflag:s10] =	ssyncadd.s32 $0xFFFFE000  }
0x5e: {  	[hbm4b:s0+s3] =	stream.linear.scatter [tilespmem:s30], [sflag:$0x10], $0x2000, $0x38;
	[tilespmem:$0x15900] =	vst v63  }
0x5f: {  	_ =	swait.ge [sflag:s11], $0x2000  }
0x60: {  	[sflag:s11] =	ssyncset.done $0x0  }
0x61: {  	s1 =	simm.s32 $0x3C0;
	[sflag:s11] =	ssyncadd.s32 $0xFFFFE000  }
0x62: {  	[tilespmem:s30], [sflag:$0x6] =	stream.indirect.gather [hbm4b:s2+s18], $0x80, s1, s18, $0xb8;
	[tilespmem:$0x15900] =	vst v63  }
0x63: {  	_ =	swait.ge [sflag:s12], $0x2000  }
0x64: {  	[sflag:s12] =	ssyncset.done $0x0  }
0x65: {  	s6 =	sadd.s32 $0xFFFFF400, s24;
	[sflag:s12] =	ssyncadd.s32 $0xFFFFE000  }
0x66: {  	[hbm4b:s6+s3] =	stream.linear.scatter [tilespmem:s21], [sflag:$0x11], $0x2000, $0x38;
	[tilespmem:$0x15900] =	vst v63  }
0x67: {  	_ =	swait.ge [sflag:s13], $0x2000  }
0x68: {  	[sflag:s13] =	ssyncset.done $0x0  }
0x69: {  	s23 =	simm.s32 $0x400;
	[sflag:s13] =	ssyncadd.s32 $0xFFFFE000  }
0x6a: {  	[tilespmem:s21], [sflag:$0x7] =	stream.indirect.gather [hbm4b:s2+s18], $0x80, s23, s18, $0xb8;
	[tilespmem:$0x15900] =	vst v63  }
0x6b: {  	_ =	swait.ge [sflag:s14], $0x2000  }
0x6c: {  	[sflag:s14] =	ssyncset.done $0x0  }
0x6d: {  	s26 =	sadd.s32 $0xFFFFF800, s24;
	[sflag:s14] =	ssyncadd.s32 $0xFFFFE000  }
0x6e: {  	[hbm4b:s26+s3] =	stream.linear.scatter [tilespmem:s25], [sflag:$0x12], $0x2000, $0x38;
	[tilespmem:$0x15900] =	vst v63  }
0x6f: {  	_ =	swait.ge [sflag:s15], $0x2000  }
0x70: {  	[sflag:s15] =	ssyncset.done $0x0  }
0x71: {  	s28 =	simm.s32 $0x440;
	[sflag:s15] =	ssyncadd.s32 $0xFFFFE000  }
0x72: {  	[tilespmem:s25], [sflag:$0x8] =	stream.indirect.gather [hbm4b:s2+s18], $0x80, s28, s18, $0xb8;
	[tilespmem:$0x15900] =	vst v63  }
0x73: {  	_ =	swait.ge [sflag:s17], $0x2000  }
0x74: {  	[sflag:s17] =	ssyncset.done $0x0  }
0x75: {  	s29 =	sadd.s32 $0xFFFFFC00, s24;
	[sflag:s17] =	ssyncadd.s32 $0xFFFFE000  }
0x76: {  	[hbm4b:s29+s3] =	stream.linear.scatter [tilespmem:s4], [sflag:$0x13], $0x2000, $0x38;
	[tilespmem:$0x15900] =	vst v63  }
0x77: {  	_ =	swait.ge [sflag:s16], $0x2000  }
0x78: {  	[sflag:s16] =	ssyncset.done $0x0  }
0x79: {  	s30 =	simm.s32 $0x480;
	[sflag:s16] =	ssyncadd.s32 $0xFFFFE000  }
0x7a: {  	[tilespmem:s4], [sflag:$0x9] =	stream.indirect.gather [hbm4b:s2+s18], $0x80, s30, s18, $0xb8;
	[tilespmem:$0x15900] =	vst v63  }
0x7b: {  	_ =	swait.ge [sflag:s19], $0x2000  }
0x7c: {  	[sflag:s19] =	ssyncset.done $0x0  }
0x7d: {  	[sflag:s19] =	ssyncadd.s32 $0xFFFFE000  }
0x7e: {  	[hbm4b:s24+s3] =	stream.linear.scatter [tilespmem:s5], [sflag:$0x14], $0x2000, $0x38;
	[tilespmem:$0x15900] =	vst v63  }
0x7f: {  	_ =	swait.ge [sflag:s20], $0x2000  }
0x80: {  	s22 =	simm.s32 $0xA00;
	[sflag:s20] =	ssyncset.done $0x0  }
0x81: {  	s26 =	simm.s32 $0x4C0;
	s24 =	sadd.s32 $0x2800, s24;
	[sflag:s20] =	ssyncadd.s32 $0xFFFFE000  }
.LBB2_2:
0x82: {  	s6 =	simm.s32 $0x13900  }
0x83: {  	[tilespmem:s6], [sflag:$0xA] =	stream.indirect.gather [hbm4b:s2+s18], $0x80, s26, s18, $0xb8;
	[tilespmem:$0x15900] =	vst v63  }
0x84: {  	s0 =	simm.s32 $0x1;
	s26 =	smov.u32 s22  }
0x85: {  	p0 =	sne.s32 s22, $0x5000;
	s22 =	sadd.s32 $0xA00, s22;
	_ =	swait.ge [sflag:s0], $0x2000  }
0x86: {  	s29 =	sadd.s32 $0xFFFFDC00, s24;
	[sflag:s0] =	ssyncset.done $0x0  }
0x87: {  	s1 =	simm.s32 $0xB;
	[sflag:s0] =	ssyncadd.s32 $0xFFFFE000;
	s0 =	simm.s32 $0x1900  }
0x88: {  	[hbm4b:s29+s3] =	stream.linear.scatter [tilespmem:s0], [sflag:$0xB], $0x2000, $0x38;
	[tilespmem:$0x15900] =	vst v63  }
0x89: {  	_ =	swait.ge [sflag:s1], $0x2000  }
0x8a: {  	s26 =	sshra.s32 s26, $0x2;
	[sflag:s1] =	ssyncset.done $0x0  }
0x8b: {  	s29 =	sadd.s32 $0x280, s26;
	[sflag:s1] =	ssyncadd.s32 $0xFFFFE000  }
0x8c: {  	[tilespmem:s0], [sflag:$0x1] =	stream.indirect.gather [hbm4b:s2+s18], $0x80, s29, s18, $0xb8;
	[tilespmem:$0x15900] =	vst v63  }
0x8d: {  	s0 =	simm.s32 $0x2  }
0x8e: {  	_ =	swait.ge [sflag:s0], $0x2000  }
0x8f: {  	s23 =	simm.s32 $0x3900;
	[sflag:s0] =	ssyncset.done $0x0  }
0x90: {  	s29 =	sadd.s32 $0xFFFFE000, s24;
	[sflag:s0] =	ssyncadd.s32 $0xFFFFE000;
	s0 =	simm.s32 $0xC  }
0x91: {  	[hbm4b:s29+s3] =	stream.linear.scatter [tilespmem:s23], [sflag:$0xC], $0x2000, $0x38;
	[tilespmem:$0x15900] =	vst v63  }
0x92: {  	_ =	swait.ge [sflag:s0], $0x2000  }
0x93: {  	s1 =	simm.s32 $0x3;
	[sflag:s0] =	ssyncset.done $0x0  }
0x94: {  	s29 =	sadd.s32 $0x2C0, s26;
	[sflag:s0] =	ssyncadd.s32 $0xFFFFE000;
	s0 =	simm.s32 $0x3900  }
0x95: {  	[tilespmem:s23], [sflag:$0x2] =	stream.indirect.gather [hbm4b:s2+s18], $0x80, s29, s18, $0xb8;
	[tilespmem:$0x15900] =	vst v63  }
0x96: {  	_ =	swait.ge [sflag:s1], $0x2000  }
0x97: {  	s28 =	simm.s32 $0x5900;
	[sflag:s1] =	ssyncset.done $0x0  }
0x98: {  	s29 =	sadd.s32 $0xFFFFE400, s24;
	[sflag:s1] =	ssyncadd.s32 $0xFFFFE000;
	s1 =	simm.s32 $0xD  }
0x99: {  	[hbm4b:s29+s3] =	stream.linear.scatter [tilespmem:s28], [sflag:$0xD], $0x2000, $0x38;
	[tilespmem:$0x15900] =	vst v63  }
0x9a: {  	_ =	swait.ge [sflag:s1], $0x2000  }
0x9b: {  	s23 =	simm.s32 $0x5900;
	[sflag:s1] =	ssyncset.done $0x0  }
0x9c: {  	s29 =	sadd.s32 $0x300, s26;
	[sflag:s1] =	ssyncadd.s32 $0xFFFFE000;
	s1 =	simm.s32 $0x4  }
0x9d: {  	[tilespmem:s28], [sflag:$0x3] =	stream.indirect.gather [hbm4b:s2+s18], $0x80, s29, s18, $0xb8;
	[tilespmem:$0x15900] =	vst v63  }
0x9e: {  	_ =	swait.ge [sflag:s1], $0x2000  }
0x9f: {  	[sflag:s1] =	ssyncset.done $0x0  }
0xa0: {  	s30 =	simm.s32 $0x7900;
	s29 =	sadd.s32 $0xFFFFE800, s24;
	[sflag:s1] =	ssyncadd.s32 $0xFFFFE000  }
0xa1: {  	[hbm4b:s29+s3] =	stream.linear.scatter [tilespmem:s30], [sflag:$0xE], $0x2000, $0x38;
	[tilespmem:$0x15900] =	vst v63  }
0xa2: {  	_ =	swait.ge [sflag:s7], $0x2000  }
0xa3: {  	[sflag:s7] =	ssyncset.done $0x0  }
0xa4: {  	s28 =	simm.s32 $0x7900;
	s29 =	sadd.s32 $0x340, s26;
	[sflag:s7] =	ssyncadd.s32 $0xFFFFE000  }
0xa5: {  	[tilespmem:s30], [sflag:$0x4] =	stream.indirect.gather [hbm4b:s2+s18], $0x80, s29, s18, $0xb8;
	[tilespmem:$0x15900] =	vst v63  }
0xa6: {  	_ =	swait.ge [sflag:s8], $0x2000  }
0xa7: {  	[sflag:s8] =	ssyncset.done $0x0  }
0xa8: {  	s1 =	simm.s32 $0x9900;
	s29 =	sadd.s32 $0xFFFFEC00, s24;
	[sflag:s8] =	ssyncadd.s32 $0xFFFFE000  }
0xa9: {  	[hbm4b:s29+s3] =	stream.linear.scatter [tilespmem:s1], [sflag:$0xF], $0x2000, $0x38;
	[tilespmem:$0x15900] =	vst v63  }
0xaa: {  	_ =	swait.ge [sflag:s9], $0x2000  }
0xab: {  	[sflag:s9] =	ssyncset.done $0x0  }
0xac: {  	s30 =	simm.s32 $0x9900;
	s29 =	sadd.s32 $0x380, s26;
	[sflag:s9] =	ssyncadd.s32 $0xFFFFE000  }
0xad: {  	[tilespmem:s1], [sflag:$0x5] =	stream.indirect.gather [hbm4b:s2+s18], $0x80, s29, s18, $0xb8;
	[tilespmem:$0x15900] =	vst v63  }
0xae: {  	_ =	swait.ge [sflag:s10], $0x2000  }
0xaf: {  	[sflag:s10] =	ssyncset.done $0x0  }
0xb0: {  	s21 =	simm.s32 $0xB900;
	s29 =	sadd.s32 $0xFFFFF000, s24;
	[sflag:s10] =	ssyncadd.s32 $0xFFFFE000  }
0xb1: {  	[hbm4b:s29+s3] =	stream.linear.scatter [tilespmem:s21], [sflag:$0x10], $0x2000, $0x38;
	[tilespmem:$0x15900] =	vst v63  }
0xb2: {  	_ =	swait.ge [sflag:s11], $0x2000  }
0xb3: {  	[sflag:s11] =	ssyncset.done $0x0  }
0xb4: {  	s1 =	simm.s32 $0xB900;
	s29 =	sadd.s32 $0x3C0, s26;
	[sflag:s11] =	ssyncadd.s32 $0xFFFFE000  }
0xb5: {  	[tilespmem:s21], [sflag:$0x6] =	stream.indirect.gather [hbm4b:s2+s18], $0x80, s29, s18, $0xb8;
	[tilespmem:$0x15900] =	vst v63  }
0xb6: {  	_ =	swait.ge [sflag:s12], $0x2000  }
0xb7: {  	[sflag:s12] =	ssyncset.done $0x0  }
0xb8: {  	s25 =	simm.s32 $0xD900;
	s29 =	sadd.s32 $0xFFFFF400, s24;
	[sflag:s12] =	ssyncadd.s32 $0xFFFFE000  }
0xb9: {  	[hbm4b:s29+s3] =	stream.linear.scatter [tilespmem:s25], [sflag:$0x11], $0x2000, $0x38;
	[tilespmem:$0x15900] =	vst v63  }
0xba: {  	_ =	swait.ge [sflag:s13], $0x2000  }
0xbb: {  	[sflag:s13] =	ssyncset.done $0x0  }
0xbc: {  	s21 =	simm.s32 $0xD900;
	s29 =	sadd.s32 $0x400, s26;
	[sflag:s13] =	ssyncadd.s32 $0xFFFFE000  }
0xbd: {  	[tilespmem:s25], [sflag:$0x7] =	stream.indirect.gather [hbm4b:s2+s18], $0x80, s29, s18, $0xb8;
	[tilespmem:$0x15900] =	vst v63  }
0xbe: {  	_ =	swait.ge [sflag:s14], $0x2000  }
0xbf: {  	[sflag:s14] =	ssyncset.done $0x0  }
0xc0: {  	s4 =	simm.s32 $0xF900;
	s29 =	sadd.s32 $0xFFFFF800, s24;
	[sflag:s14] =	ssyncadd.s32 $0xFFFFE000  }
0xc1: {  	[hbm4b:s29+s3] =	stream.linear.scatter [tilespmem:s4], [sflag:$0x12], $0x2000, $0x38;
	[tilespmem:$0x15900] =	vst v63  }
0xc2: {  	_ =	swait.ge [sflag:s15], $0x2000  }
0xc3: {  	[sflag:s15] =	ssyncset.done $0x0  }
0xc4: {  	s25 =	simm.s32 $0xF900;
	s29 =	sadd.s32 $0x440, s26;
	[sflag:s15] =	ssyncadd.s32 $0xFFFFE000  }
0xc5: {  	[tilespmem:s4], [sflag:$0x8] =	stream.indirect.gather [hbm4b:s2+s18], $0x80, s29, s18, $0xb8;
	[tilespmem:$0x15900] =	vst v63  }
0xc6: {  	_ =	swait.ge [sflag:s17], $0x2000  }
0xc7: {  	[sflag:s17] =	ssyncset.done $0x0  }
0xc8: {  	s5 =	simm.s32 $0x11900;
	s29 =	sadd.s32 $0xFFFFFC00, s24;
	[sflag:s17] =	ssyncadd.s32 $0xFFFFE000  }
0xc9: {  	[hbm4b:s29+s3] =	stream.linear.scatter [tilespmem:s5], [sflag:$0x13], $0x2000, $0x38;
	[tilespmem:$0x15900] =	vst v63  }
0xca: {  	_ =	swait.ge [sflag:s16], $0x2000  }
0xcb: {  	[sflag:s16] =	ssyncset.done $0x0  }
0xcc: {  	s4 =	simm.s32 $0x11900;
	s29 =	sadd.s32 $0x480, s26;
	[sflag:s16] =	ssyncadd.s32 $0xFFFFE000  }
0xcd: {  	[tilespmem:s5], [sflag:$0x9] =	stream.indirect.gather [hbm4b:s2+s18], $0x80, s29, s18, $0xb8;
	[tilespmem:$0x15900] =	vst v63  }
0xce: {  	_ =	swait.ge [sflag:s19], $0x2000  }
0xcf: {  	[sflag:s19] =	ssyncset.done $0x0  }
.Ltmp0:
0xd0: {  	[sflag:s19] =	ssyncadd.s32 $0xFFFFE000;
	(pc) =	sbr.rel @p0 .LBB2_2-.Ltmp0, $4  }
0xd1: {  	[hbm4b:s24+s3] =	stream.linear.scatter [tilespmem:s6], [sflag:$0x14], $0x2000, $0x38;
	[tilespmem:$0x15900] =	vst v63  }
0xd2: {  	_ =	swait.ge [sflag:s20], $0x2000  }
0xd3: {  	[sflag:s20] =	ssyncset.done $0x0  }
0xd4: {  	s26 =	sadd.s32 $0x4C0, s26;
	s24 =	sadd.s32 $0x2800, s24;
	[sflag:s20] =	ssyncadd.s32 $0xFFFFE000  }
0xd5: {  	s5 =	simm.s32 $0x13900;
	s6 =	simm.s32 $0x1  }
0xd6: {  	[tilespmem:s5], [sflag:$0xA] =	stream.indirect.gather [hbm4b:s2+s18], $0x80, s26, s18, $0xb8;
	[tilespmem:$0x15900] =	vst v63  }
0xd7: {  	_ =	swait.ge [sflag:s6], $0x2000  }
0xd8: {  	[sflag:s6] =	ssyncset.done $0x0  }
0xd9: {  	s24 =	simm.s32 $0x2;
	s22 =	rddreg [dreg:$0x5];
	[sflag:s6] =	ssyncadd.s32 $0xFFFFE000  }
0xda: {  	[hbm4b:s22+s3] =	stream.linear.scatter [tilespmem:s31], [sflag:$0xB], $0x2000, $0x38;
	[tilespmem:$0x15900] =	vst v63  }
0xdb: {  	_ =	swait.ge [sflag:s24], $0x2000  }
0xdc: {  	[sflag:s24] =	ssyncset.done $0x0  }
0xdd: {  	s29 =	simm.s32 $0x3;
	s26 =	rddreg [dreg:$0x6];
	[sflag:s24] =	ssyncadd.s32 $0xFFFFE000  }
0xde: {  	[hbm4b:s26+s3] =	stream.linear.scatter [tilespmem:s0], [sflag:$0xC], $0x2000, $0x38;
	[tilespmem:$0x15900] =	vst v63  }
0xdf: {  	_ =	swait.ge [sflag:s29], $0x2000  }
0xe0: {  	[sflag:s29] =	ssyncset.done $0x0  }
0xe1: {  	s24 =	simm.s32 $0x4;
	s6 =	rddreg [dreg:$0x7];
	[sflag:s29] =	ssyncadd.s32 $0xFFFFE000  }
0xe2: {  	[hbm4b:s6+s3] =	stream.linear.scatter [tilespmem:s23], [sflag:$0xD], $0x2000, $0x38;
	[tilespmem:$0x15900] =	vst v63  }
0xe3: {  	_ =	swait.ge [sflag:s24], $0x2000  }
0xe4: {  	[sflag:s24] =	ssyncset.done $0x0  }
0xe5: {  	s26 =	rddreg [dreg:$0x8];
	[sflag:s24] =	ssyncadd.s32 $0xFFFFE000  }
0xe6: {  	[hbm4b:s26+s3] =	stream.linear.scatter [tilespmem:s28], [sflag:$0xE], $0x2000, $0x38;
	[tilespmem:$0x15900] =	vst v63  }
0xe7: {  	_ =	swait.ge [sflag:s8], $0x2000  }
0xe8: {  	[sflag:s8] =	ssyncset.done $0x0  }
0xe9: {  	s29 =	rddreg [dreg:$0x9];
	[sflag:s8] =	ssyncadd.s32 $0xFFFFE000  }
0xea: {  	[hbm4b:s29+s3] =	stream.linear.scatter [tilespmem:s30], [sflag:$0xF], $0x2000, $0x38;
	[tilespmem:$0x15900] =	vst v63  }
0xeb: {  	_ =	swait.ge [sflag:s10], $0x2000  }
0xec: {  	[sflag:s10] =	ssyncset.done $0x0  }
0xed: {  	s0 =	rddreg [dreg:$0xa];
	[sflag:s10] =	ssyncadd.s32 $0xFFFFE000  }
0xee: {  	[hbm4b:s0+s3] =	stream.linear.scatter [tilespmem:s1], [sflag:$0x10], $0x2000, $0x38;
	[tilespmem:$0x15900] =	vst v63  }
0xef: {  	_ =	swait.ge [sflag:s12], $0x2000  }
0xf0: {  	[sflag:s12] =	ssyncset.done $0x0  }
0xf1: {  	s6 =	rddreg [dreg:$0xb];
	[sflag:s12] =	ssyncadd.s32 $0xFFFFE000  }
0xf2: {  	[hbm4b:s6+s3] =	stream.linear.scatter [tilespmem:s21], [sflag:$0x11], $0x2000, $0x38;
	[tilespmem:$0x15900] =	vst v63  }
0xf3: {  	_ =	swait.ge [sflag:s14], $0x2000  }
0xf4: {  	[sflag:s14] =	ssyncset.done $0x0  }
0xf5: {  	s21 =	rddreg [dreg:$0xc];
	[sflag:s14] =	ssyncadd.s32 $0xFFFFE000  }
0xf6: {  	[hbm4b:s21+s3] =	stream.linear.scatter [tilespmem:s25], [sflag:$0x12], $0x2000, $0x38;
	[tilespmem:$0x15900] =	vst v63  }
0xf7: {  	_ =	swait.ge [sflag:s17], $0x2000  }
0xf8: {  	[sflag:s17] =	ssyncset.done $0x0  }
0xf9: {  	s23 =	rddreg [dreg:$0xd];
	[sflag:s17] =	ssyncadd.s32 $0xFFFFE000  }
0xfa: {  	[hbm4b:s23+s3] =	stream.linear.scatter [tilespmem:s4], [sflag:$0x13], $0x2000, $0x38;
	[tilespmem:$0x15900] =	vst v63  }
0xfb: {  	_ =	swait.ge [sflag:s19], $0x2000  }
0xfc: {  	[sflag:s19] =	ssyncset.done $0x0  }
0xfd: {  	s25 =	simm.s32 $0xB;
	s24 =	rddreg [dreg:$0xe];
	[sflag:s19] =	ssyncadd.s32 $0xFFFFE000  }
0xfe: {  	[hbm4b:s24+s3] =	stream.linear.scatter [tilespmem:s5], [sflag:$0x14], $0x2000, $0x38;
	[tilespmem:$0x15900] =	vst v63  }
0xff: {  	_ =	swait.ge [sflag:s25], $0x2000  }
0x100: {  	[sflag:s25] =	ssyncset.done $0x0  }
0x101: {  	s26 =	simm.s32 $0xC;
	[sflag:s25] =	ssyncadd.s32 $0xFFFFE000  }
0x102: {  	_ =	swait.ge [sflag:s26], $0x2000  }
0x103: {  	[sflag:s26] =	ssyncset.done $0x0  }
0x104: {  	s28 =	simm.s32 $0xD;
	[sflag:s26] =	ssyncadd.s32 $0xFFFFE000  }
0x105: {  	_ =	swait.ge [sflag:s28], $0x2000  }
0x106: {  	[sflag:s28] =	ssyncset.done $0x0  }
0x107: {  	[sflag:s28] =	ssyncadd.s32 $0xFFFFE000  }
0x108: {  	_ =	swait.ge [sflag:s7], $0x2000  }
0x109: {  	[sflag:s7] =	ssyncset.done $0x0  }
0x10a: {  	[sflag:s7] =	ssyncadd.s32 $0xFFFFE000  }
0x10b: {  	_ =	swait.ge [sflag:s9], $0x2000  }
0x10c: {  	[sflag:s9] =	ssyncset.done $0x0  }
0x10d: {  	[sflag:s9] =	ssyncadd.s32 $0xFFFFE000  }
0x10e: {  	_ =	swait.ge [sflag:s11], $0x2000  }
0x10f: {  	[sflag:s11] =	ssyncset.done $0x0  }
0x110: {  	[sflag:s11] =	ssyncadd.s32 $0xFFFFE000  }
0x111: {  	_ =	swait.ge [sflag:s13], $0x2000  }
0x112: {  	[sflag:s13] =	ssyncset.done $0x0  }
0x113: {  	[sflag:s13] =	ssyncadd.s32 $0xFFFFE000  }
0x114: {  	_ =	swait.ge [sflag:s15], $0x2000  }
0x115: {  	[sflag:s15] =	ssyncset.done $0x0  }
0x116: {  	[sflag:s15] =	ssyncadd.s32 $0xFFFFE000  }
0x117: {  	_ =	swait.ge [sflag:s16], $0x2000  }
0x118: {  	[sflag:s16] =	ssyncset.done $0x0  }
0x119: {  	[sflag:s16] =	ssyncadd.s32 $0xFFFFE000  }
0x11a: {  	_ =	swait.ge [sflag:s20], $0x2000  }
0x11b: {  	s29 =	rddreg [dreg:$0x11]  }
0x11c: {  	s30 =	rddreg [dreg:$0xf];
	s0 =	sadd.s32 $0x1, s29  }
0x11d: {  	p0 =	sne.s32 s0, s30  }
.Ltmp1:
0x11e: {  	_ = 	snop;
	(pc) =	sbr.rel @p0 .LBB2_1-.Ltmp1, $3  }
0x11f: {  	_ =	sdelay $0x1  }
0x120: {  	[sflag:s20] =	ssyncset.done $0x0  }
0x121: {  	[sflag:s20] =	ssyncadd.s32 $0xFFFFE000  }
0x122: {  	_ =	sfence.sel $0x180000  }
0x123: {  	[bflag:$0x0] =	sbarrier.arrive $0xFFFF  }
0x124: {  	_ =	strace $0x90000047  }
0x125: {  	s0 =	stileid.u32;
	[bflag:$0x2] =	sbarrier.arrive $0xFFFF  }
0x126: {  	p0 =	sne.s32 s0, $0x0;
	s0 =	rddreg [dreg:$0x3]  }
0x127: {  	s0 =	sadd.s32 @!p0 $0x100000, s0  }
0x128: {  	[sflag:s0] =	ssyncadd.tile.s32 @!p0 $0x1;
	_ =	shalt  }
.Lfunc_end2:
_tile_overlayer_lowered:
.L_overlay_start_2:
0x129: {  	(tag) =	ssettag $0x2  }
0x12a: {  	s0 =	rddreg [dreg:$0x0];
	s2 =	stileid.u32  }
0x12b: {  	s1 =	rddreg [dreg:$0x1];
	p0 =	sne.s32 s2, $0x0  }
0x12c: {  	s3 =	rddreg [dreg:$0x2];
	[bflag:$0x3] =	sbarrier.arrive $0xFFFF;
	s2 =	simm.s32 @!p0 $0x1C15  }
0x12d: {  	[timem:s3], [sflag:s2] =	dma.local @!p0 [hbm:s0], s1  }
0x12e: {  	s0 =	simm.s32 @!p0 $0x15  }
0x12f: {  	_ =	swait.ge @!p0 [sflag:s0], s1  }
0x130: {  	s1 =	ssub.s32 @!p0 $0x0, s1;
	[sflag:s0] =	ssyncset.done @!p0 $0x0  }
0x131: {  	[sflag:s0] =	ssyncadd.s32 @!p0 s1  }
0x132: {  	[bflag:$0x3] =	sbarrier.arrive $0xFFFF  }
0x133: {  	_ =	shalt  }

</sc_bundles>
